<compile_context>
chip_gen: v7x
topology: tpu7x:2x2x1
jax: 0.10.2.dev20260603
libtpu: 0.0.44.dev20260713+nightly
codegen_flags: <defaults>
</compile_context>

<pallas_src>
import jax
import jax.numpy as jnp
from jax import lax
from jax.experimental import pallas as pl
from jax.experimental.pallas import tpu as pltpu
from jax.experimental.pallas import tpu_sc as plsc

NTOKEN = 1000000
EMB_DIM = 64
BATCH = 16384
HIST_LEN = 50

NC = 2
NS = 16
NW = NC * NS

NB = BATCH // NW
G = 16
N_GROUPS = NB // G
T = N_GROUPS // 2


def _body(table_hbm, x_hbm, out_hbm, slab, buf0, buf1, gsem0, gsem1,
          ssem0, ssem1):
  wid = lax.axis_index("s") * NC + lax.axis_index("c")
  b0 = wid * NB

  pltpu.sync_copy(x_hbm.at[pl.ds(b0, NB), :], slab)

  def issue_gathers(g, buf, sem):
    for i in range(G):
      pltpu.async_copy(table_hbm.at[slab.at[g * G + i]], buf.at[i], sem)

  def wait_gathers(buf, sem):
    for i in range(G):
      pltpu.make_async_copy(table_hbm.at[slab.at[i]], buf.at[i], sem).wait()

  def issue_store(g, buf, sem):
    pltpu.async_copy(buf, out_hbm.at[pl.ds(b0 + g * G, G), :, :], sem)

  def wait_store(buf, sem):
    pltpu.make_async_copy(buf, out_hbm.at[pl.ds(b0, G), :, :], sem).wait()

  issue_gathers(0, buf0, gsem0)

  @pl.loop(0, T)
  def _(t):
    a = 2 * t

    @pl.when(t > 0)
    def _():
      wait_store(buf1, ssem1)
    issue_gathers(a + 1, buf1, gsem1)

    wait_gathers(buf0, gsem0)
    issue_store(a, buf0, ssem0)

    @pl.when(t < T - 1)
    def _():
      wait_store(buf0, ssem0)
      issue_gathers(a + 2, buf0, gsem0)

    wait_gathers(buf1, gsem1)
    issue_store(a + 1, buf1, ssem1)

  wait_store(buf0, ssem0)
  wait_store(buf1, ssem1)


@jax.jit
def _lookup(x2d, emb_weight):
  mesh = plsc.VectorSubcoreMesh(
      core_axis_name="c", subcore_axis_name="s", num_cores=NC,
      num_subcores=NS)
  scratch = [
      pltpu.VMEM((NB, HIST_LEN), jnp.int32),
      pltpu.VMEM((G, HIST_LEN, EMB_DIM), jnp.float32),
      pltpu.VMEM((G, HIST_LEN, EMB_DIM), jnp.float32),
      pltpu.SemaphoreType.DMA,
      pltpu.SemaphoreType.DMA,
      pltpu.SemaphoreType.DMA,
      pltpu.SemaphoreType.DMA,
  ]
  return pl.kernel(
      _body,
      out_type=jax.ShapeDtypeStruct((BATCH, HIST_LEN, EMB_DIM), jnp.float32),
      mesh=mesh,
      scratch_types=scratch,
      compiler_params=pltpu.CompilerParams(use_tc_tiling_on_sc=False),
  )(emb_weight, x2d)


def kernel(x, emb_weight):
  return _lookup(x.astype(jnp.int32), emb_weight)

# --- scband reference (transcript-rebuilt; emitter-appended) ---
"""Pipeline reference for scband-word-embedding-53008486367867 (READ-ONLY COPY).

The authoritative reference and input builder live on the scoring server;
editing this copy changes nothing except your own understanding.
"""

import jax, jax.numpy as jnp
import numpy as np

NTOKEN = 1000000
EMB_DIM = 64
BATCH = 16384
HIST_LEN = 50


def setup_inputs(seed: int = 0) -> dict:
    key = jax.random.key(seed)
    k_idx, k_tab = jax.random.split(key)
    x = jax.random.randint(k_idx, (BATCH, HIST_LEN), 0, NTOKEN, dtype=jnp.int64 if jax.config.jax_enable_x64 else jnp.int32)
    emb_weight = jax.random.normal(k_tab, (NTOKEN, EMB_DIM), dtype=jnp.float32) * 0.02
    return {"x": x, "emb_weight": emb_weight}


def reference(x, emb_weight):
    # nn.Embedding lookup: gather rows of the table by token index.
    emb = jnp.take(emb_weight, x, axis=0)
    # Dropout in eval mode is the identity; the reference computes the
    # deterministic forward path (training dropout is a Bernoulli mask,
    # omitted for determinism as is standard for numerical references).
    return emb

if __name__ == "__main__":
    import jax
    _d = setup_inputs()
    print(jax.jit(kernel)(*tuple(_d.values())))

</pallas_src>

<mosaic_0001>
#map = affine_map<(d0, d1) -> (0, 0)>
#map1 = affine_map<(d0, d1) -> (0, 0, 0)>
module attributes {stable_mosaic.version = 14 : i64} {
  func.func @_body(%arg0: i32, %arg1: i32, %arg2: memref<1000000x64xf32, #tpu.memory_space<hbm>>, %arg3: memref<16384x50xi32, #tpu.memory_space<hbm>>, %arg4: memref<16384x50x64xf32, #tpu.memory_space<hbm>>, %arg5: memref<512x50xi32, #tpu.memory_space<vmem>>, %arg6: memref<16x50x64xf32, #tpu.memory_space<vmem>>, %arg7: memref<16x50x64xf32, #tpu.memory_space<vmem>>, %arg8: memref<!tpu.dma_semaphore, #tpu.memory_space<semaphore_mem>>, %arg9: memref<!tpu.dma_semaphore, #tpu.memory_space<semaphore_mem>>, %arg10: memref<!tpu.dma_semaphore, #tpu.memory_space<semaphore_mem>>, %arg11: memref<!tpu.dma_semaphore, #tpu.memory_space<semaphore_mem>>) attributes {dimension_semantics = [#tpu.dimension_semantics<core_parallel>, #tpu.dimension_semantics<subcore_parallel>], iteration_bounds = array<i64: 2, 16>, scalar_prefetch = 0 : i64, scratch_operands = 7 : i64, tpu.core_type = #tpu.core_type<sc_vector_subcore>, window_params = [{transform_indices = #map}, {transform_indices = #map}, {transform_indices = #map1}]} {
    %mul3A = arith.constant 2 : i32
    %mul3A_0 = arith.muli %arg1, %mul3A : i32
    %add3A = arith.addi %mul3A_0, %arg0 : i32
    %mul3A_1 = arith.constant 512 : i32
    %mul3A_2 = arith.muli %add3A, %mul3A_1 : i32
    "tpu.region"() ({
      %run_scoped3A = tpu.sem_alloc : memref<!tpu.dma_semaphore, #tpu.memory_space<semaphore_mem>>
      %dma_start3A_209 = arith.constant 0 : i32
      %dma_start3A_210 = tpu.memref_slice %arg3[%mul3A_2, %dma_start3A_209] : memref<16384x50xi32, #tpu.memory_space<hbm>> -> memref<512x50xi32, #tpu.memory_space<hbm>>
      %dma_start3A_211 = arith.constant 0 : i32
      %dma_start3A_212 = tpu.memref_slice %arg3[%mul3A_2, %dma_start3A_211] : memref<16384x50xi32, #tpu.memory_space<hbm>> -> memref<512x50xi32, #tpu.memory_space<hbm>>
      tpu.enqueue_dma source(%dma_start3A_212 : memref<512x50xi32, #tpu.memory_space<hbm>>) target(%arg5 : memref<512x50xi32, #tpu.memory_space<vmem>>) target_semaphore(%run_scoped3A : memref<!tpu.dma_semaphore, #tpu.memory_space<semaphore_mem>>)
      %dma_wait3A_213 = arith.constant 0 : i32
      %dma_wait3A_214 = tpu.memref_slice %arg3[%mul3A_2, %dma_wait3A_213] : memref<16384x50xi32, #tpu.memory_space<hbm>> -> memref<512x50xi32, #tpu.memory_space<hbm>>
      %dma_wait3A_215 = arith.constant 0 : i32
      %dma_wait3A_216 = tpu.memref_slice %arg3[%mul3A_2, %dma_wait3A_215] : memref<16384x50xi32, #tpu.memory_space<hbm>> -> memref<512x50xi32, #tpu.memory_space<hbm>>
      tpu.wait_dma2 semaphore(%run_scoped3A : memref<!tpu.dma_semaphore, #tpu.memory_space<semaphore_mem>>) src(%dma_wait3A_216 : memref<512x50xi32, #tpu.memory_space<hbm>>) dst(%arg5 : memref<512x50xi32, #tpu.memory_space<vmem>>)
      tpu.yield
    }) : () -> ()
    %dma_start3A = arith.constant 0 : i32
    %dma_start3A_3 = arith.constant 0 : i32
    %dma_start3A_4 = arith.constant 0 : i32
    %dma_start3A_5 = arith.constant 0 : i32
    %dma_start3A_6 = tpu.memref_slice %arg6[%dma_start3A_3, %dma_start3A_4, %dma_start3A_5] : memref<16x50x64xf32, #tpu.memory_space<vmem>> -> memref<1x50x64xf32, #tpu.memory_space<vmem>>
    %dma_start3A_7 = tpu.memref_squeeze %dma_start3A_6 : memref<1x50x64xf32, #tpu.memory_space<vmem>> -> memref<50x64xf32, #tpu.memory_space<vmem>>
    %dma_start3A_8 = arith.constant 0 : i32
    %dma_start3A_9 = tpu.memref_slice %arg5[%dma_start3A, %dma_start3A_8] : memref<512x50xi32, #tpu.memory_space<vmem>> -> memref<1x50xi32, #tpu.memory_space<vmem>>
    %dma_start3A_10 = tpu.memref_squeeze %dma_start3A_9 : memref<1x50xi32, #tpu.memory_space<vmem>> -> memref<50xi32, #tpu.memory_space<vmem>>
    %dma_start3A_11 = arith.constant 0 : i32
    %dma_start3A_12 = arith.constant 0 : i32
    %dma_start3A_13 = tpu.memref_slice %arg2[%dma_start3A_11, %dma_start3A_12] : memref<1000000x64xf32, #tpu.memory_space<hbm>> -> memref<1000000x64xf32, #tpu.memory_space<hbm>>
    tpu.enqueue_indirect_dma source(%dma_start3A_13 : memref<1000000x64xf32, #tpu.memory_space<hbm>>) target(%dma_start3A_7 : memref<50x64xf32, #tpu.memory_space<vmem>>) offsets(%dma_start3A_10 : memref<50xi32, #tpu.memory_space<vmem>>) semaphore(%arg8 : memref<!tpu.dma_semaphore, #tpu.memory_space<semaphore_mem>>)
    %dma_start3A_14 = arith.constant 1 : i32
    %dma_start3A_15 = arith.constant 1 : i32
    %dma_start3A_16 = arith.constant 0 : i32
    %dma_start3A_17 = arith.constant 0 : i32
    %dma_start3A_18 = tpu.memref_slice %arg6[%dma_start3A_15, %dma_start3A_16, %dma_start3A_17] : memref<16x50x64xf32, #tpu.memory_space<vmem>> -> memref<1x50x64xf32, #tpu.memory_space<vmem>>
    %dma_start3A_19 = tpu.memref_squeeze %dma_start3A_18 : memref<1x50x64xf32, #tpu.memory_space<vmem>> -> memref<50x64xf32, #tpu.memory_space<vmem>>
    %dma_start3A_20 = arith.constant 0 : i32
    %dma_start3A_21 = tpu.memref_slice %arg5[%dma_start3A_14, %dma_start3A_20] : memref<512x50xi32, #tpu.memory_space<vmem>> -> memref<1x50xi32, #tpu.memory_space<vmem>>
    %dma_start3A_22 = tpu.memref_squeeze %dma_start3A_21 : memref<1x50xi32, #tpu.memory_space<vmem>> -> memref<50xi32, #tpu.memory_space<vmem>>
    %dma_start3A_23 = arith.constant 0 : i32
    %dma_start3A_24 = arith.constant 0 : i32
    %dma_start3A_25 = tpu.memref_slice %arg2[%dma_start3A_23, %dma_start3A_24] : memref<1000000x64xf32, #tpu.memory_space<hbm>> -> memref<1000000x64xf32, #tpu.memory_space<hbm>>
    tpu.enqueue_indirect_dma source(%dma_start3A_25 : memref<1000000x64xf32, #tpu.memory_space<hbm>>) target(%dma_start3A_19 : memref<50x64xf32, #tpu.memory_space<vmem>>) offsets(%dma_start3A_22 : memref<50xi32, #tpu.memory_space<vmem>>) semaphore(%arg8 : memref<!tpu.dma_semaphore, #tpu.memory_space<semaphore_mem>>)
    %dma_start3A_26 = arith.constant 2 : i32
    %dma_start3A_27 = arith.constant 2 : i32
    %dma_start3A_28 = arith.constant 0 : i32
    %dma_start3A_29 = arith.constant 0 : i32
    %dma_start3A_30 = tpu.memref_slice %arg6[%dma_start3A_27, %dma_start3A_28, %dma_start3A_29] : memref<16x50x64xf32, #tpu.memory_space<vmem>> -> memref<1x50x64xf32, #tpu.memory_space<vmem>>
    %dma_start3A_31 = tpu.memref_squeeze %dma_start3A_30 : memref<1x50x64xf32, #tpu.memory_space<vmem>> -> memref<50x64xf32, #tpu.memory_space<vmem>>
    %dma_start3A_32 = arith.constant 0 : i32
    %dma_start3A_33 = tpu.memref_slice %arg5[%dma_start3A_26, %dma_start3A_32] : memref<512x50xi32, #tpu.memory_space<vmem>> -> memref<1x50xi32, #tpu.memory_space<vmem>>
    %dma_start3A_34 = tpu.memref_squeeze %dma_start3A_33 : memref<1x50xi32, #tpu.memory_space<vmem>> -> memref<50xi32, #tpu.memory_space<vmem>>
    %dma_start3A_35 = arith.constant 0 : i32
    %dma_start3A_36 = arith.constant 0 : i32
    %dma_start3A_37 = tpu.memref_slice %arg2[%dma_start3A_35, %dma_start3A_36] : memref<1000000x64xf32, #tpu.memory_space<hbm>> -> memref<1000000x64xf32, #tpu.memory_space<hbm>>
    tpu.enqueue_indirect_dma source(%dma_start3A_37 : memref<1000000x64xf32, #tpu.memory_space<hbm>>) target(%dma_start3A_31 : memref<50x64xf32, #tpu.memory_space<vmem>>) offsets(%dma_start3A_34 : memref<50xi32, #tpu.memory_space<vmem>>) semaphore(%arg8 : memref<!tpu.dma_semaphore, #tpu.memory_space<semaphore_mem>>)
    %dma_start3A_38 = arith.constant 3 : i32
    %dma_start3A_39 = arith.constant 3 : i32
    %dma_start3A_40 = arith.constant 0 : i32
    %dma_start3A_41 = arith.constant 0 : i32
    %dma_start3A_42 = tpu.memref_slice %arg6[%dma_start3A_39, %dma_start3A_40, %dma_start3A_41] : memref<16x50x64xf32, #tpu.memory_space<vmem>> -> memref<1x50x64xf32, #tpu.memory_space<vmem>>
    %dma_start3A_43 = tpu.memref_squeeze %dma_start3A_42 : memref<1x50x64xf32, #tpu.memory_space<vmem>> -> memref<50x64xf32, #tpu.memory_space<vmem>>
    %dma_start3A_44 = arith.constant 0 : i32
    %dma_start3A_45 = tpu.memref_slice %arg5[%dma_start3A_38, %dma_start3A_44] : memref<512x50xi32, #tpu.memory_space<vmem>> -> memref<1x50xi32, #tpu.memory_space<vmem>>
    %dma_start3A_46 = tpu.memref_squeeze %dma_start3A_45 : memref<1x50xi32, #tpu.memory_space<vmem>> -> memref<50xi32, #tpu.memory_space<vmem>>
    %dma_start3A_47 = arith.constant 0 : i32
    %dma_start3A_48 = arith.constant 0 : i32
    %dma_start3A_49 = tpu.memref_slice %arg2[%dma_start3A_47, %dma_start3A_48] : memref<1000000x64xf32, #tpu.memory_space<hbm>> -> memref<1000000x64xf32, #tpu.memory_space<hbm>>
    tpu.enqueue_indirect_dma source(%dma_start3A_49 : memref<1000000x64xf32, #tpu.memory_space<hbm>>) target(%dma_start3A_43 : memref<50x64xf32, #tpu.memory_space<vmem>>) offsets(%dma_start3A_46 : memref<50xi32, #tpu.memory_space<vmem>>) semaphore(%arg8 : memref<!tpu.dma_semaphore, #tpu.memory_space<semaphore_mem>>)
    %dma_start3A_50 = arith.constant 4 : i32
    %dma_start3A_51 = arith.constant 4 : i32
    %dma_start3A_52 = arith.constant 0 : i32
    %dma_start3A_53 = arith.constant 0 : i32
    %dma_start3A_54 = tpu.memref_slice %arg6[%dma_start3A_51, %dma_start3A_52, %dma_start3A_53] : memref<16x50x64xf32, #tpu.memory_space<vmem>> -> memref<1x50x64xf32, #tpu.memory_space<vmem>>
    %dma_start3A_55 = tpu.memref_squeeze %dma_start3A_54 : memref<1x50x64xf32, #tpu.memory_space<vmem>> -> memref<50x64xf32, #tpu.memory_space<vmem>>
    %dma_start3A_56 = arith.constant 0 : i32
    %dma_start3A_57 = tpu.memref_slice %arg5[%dma_start3A_50, %dma_start3A_56] : memref<512x50xi32, #tpu.memory_space<vmem>> -> memref<1x50xi32, #tpu.memory_space<vmem>>
    %dma_start3A_58 = tpu.memref_squeeze %dma_start3A_57 : memref<1x50xi32, #tpu.memory_space<vmem>> -> memref<50xi32, #tpu.memory_space<vmem>>
    %dma_start3A_59 = arith.constant 0 : i32
    %dma_start3A_60 = arith.constant 0 : i32
    %dma_start3A_61 = tpu.memref_slice %arg2[%dma_start3A_59, %dma_start3A_60] : memref<1000000x64xf32, #tpu.memory_space<hbm>> -> memref<1000000x64xf32, #tpu.memory_space<hbm>>
    tpu.enqueue_indirect_dma source(%dma_start3A_61 : memref<1000000x64xf32, #tpu.memory_space<hbm>>) target(%dma_start3A_55 : memref<50x64xf32, #tpu.memory_space<vmem>>) offsets(%dma_start3A_58 : memref<50xi32, #tpu.memory_space<vmem>>) semaphore(%arg8 : memref<!tpu.dma_semaphore, #tpu.memory_space<semaphore_mem>>)
    %dma_start3A_62 = arith.constant 5 : i32
    %dma_start3A_63 = arith.constant 5 : i32
    %dma_start3A_64 = arith.constant 0 : i32
    %dma_start3A_65 = arith.constant 0 : i32
    %dma_start3A_66 = tpu.memref_slice %arg6[%dma_start3A_63, %dma_start3A_64, %dma_start3A_65] : memref<16x50x64xf32, #tpu.memory_space<vmem>> -> memref<1x50x64xf32, #tpu.memory_space<vmem>>
    %dma_start3A_67 = tpu.memref_squeeze %dma_start3A_66 : memref<1x50x64xf32, #tpu.memory_space<vmem>> -> memref<50x64xf32, #tpu.memory_space<vmem>>
    %dma_start3A_68 = arith.constant 0 : i32
    %dma_start3A_69 = tpu.memref_slice %arg5[%dma_start3A_62, %dma_start3A_68] : memref<512x50xi32, #tpu.memory_space<vmem>> -> memref<1x50xi32, #tpu.memory_space<vmem>>
    %dma_start3A_70 = tpu.memref_squeeze %dma_start3A_69 : memref<1x50xi32, #tpu.memory_space<vmem>> -> memref<50xi32, #tpu.memory_space<vmem>>
    %dma_start3A_71 = arith.constant 0 : i32
    %dma_start3A_72 = arith.constant 0 : i32
    %dma_start3A_73 = tpu.memref_slice %arg2[%dma_start3A_71, %dma_start3A_72] : memref<1000000x64xf32, #tpu.memory_space<hbm>> -> memref<1000000x64xf32, #tpu.memory_space<hbm>>
    tpu.enqueue_indirect_dma source(%dma_start3A_73 : memref<1000000x64xf32, #tpu.memory_space<hbm>>) target(%dma_start3A_67 : memref<50x64xf32, #tpu.memory_space<vmem>>) offsets(%dma_start3A_70 : memref<50xi32, #tpu.memory_space<vmem>>) semaphore(%arg8 : memref<!tpu.dma_semaphore, #tpu.memory_space<semaphore_mem>>)
    %dma_start3A_74 = arith.constant 6 : i32
    %dma_start3A_75 = arith.constant 6 : i32
    %dma_start3A_76 = arith.constant 0 : i32
    %dma_start3A_77 = arith.constant 0 : i32
    %dma_start3A_78 = tpu.memref_slice %arg6[%dma_start3A_75, %dma_start3A_76, %dma_start3A_77] : memref<16x50x64xf32, #tpu.memory_space<vmem>> -> memref<1x50x64xf32, #tpu.memory_space<vmem>>
    %dma_start3A_79 = tpu.memref_squeeze %dma_start3A_78 : memref<1x50x64xf32, #tpu.memory_space<vmem>> -> memref<50x64xf32, #tpu.memory_space<vmem>>
    %dma_start3A_80 = arith.constant 0 : i32
    %dma_start3A_81 = tpu.memref_slice %arg5[%dma_start3A_74, %dma_start3A_80] : memref<512x50xi32, #tpu.memory_space<vmem>> -> memref<1x50xi32, #tpu.memory_space<vmem>>
    %dma_start3A_82 = tpu.memref_squeeze %dma_start3A_81 : memref<1x50xi32, #tpu.memory_space<vmem>> -> memref<50xi32, #tpu.memory_space<vmem>>
    %dma_start3A_83 = arith.constant 0 : i32
    %dma_start3A_84 = arith.constant 0 : i32
    %dma_start3A_85 = tpu.memref_slice %arg2[%dma_start3A_83, %dma_start3A_84] : memref<1000000x64xf32, #tpu.memory_space<hbm>> -> memref<1000000x64xf32, #tpu.memory_space<hbm>>
    tpu.enqueue_indirect_dma source(%dma_start3A_85 : memref<1000000x64xf32, #tpu.memory_space<hbm>>) target(%dma_start3A_79 : memref<50x64xf32, #tpu.memory_space<vmem>>) offsets(%dma_start3A_82 : memref<50xi32, #tpu.memory_space<vmem>>) semaphore(%arg8 : memref<!tpu.dma_semaphore, #tpu.memory_space<semaphore_mem>>)
    %dma_start3A_86 = arith.constant 7 : i32
    %dma_start3A_87 = arith.constant 7 : i32
    %dma_start3A_88 = arith.constant 0 : i32
    %dma_start3A_89 = arith.constant 0 : i32
    %dma_start3A_90 = tpu.memref_slice %arg6[%dma_start3A_87, %dma_start3A_88, %dma_start3A_89] : memref<16x50x64xf32, #tpu.memory_space<vmem>> -> memref<1x50x64xf32, #tpu.memory_space<vmem>>
    %dma_start3A_91 = tpu.memref_squeeze %dma_start3A_90 : memref<1x50x64xf32, #tpu.memory_space<vmem>> -> memref<50x64xf32, #tpu.memory_space<vmem>>
    %dma_start3A_92 = arith.constant 0 : i32
    %dma_start3A_93 = tpu.memref_slice %arg5[%dma_start3A_86, %dma_start3A_92] : memref<512x50xi32, #tpu.memory_space<vmem>> -> memref<1x50xi32, #tpu.memory_space<vmem>>
    %dma_start3A_94 = tpu.memref_squeeze %dma_start3A_93 : memref<1x50xi32, #tpu.memory_space<vmem>> -> memref<50xi32, #tpu.memory_space<vmem>>
    %dma_start3A_95 = arith.constant 0 : i32
    %dma_start3A_96 = arith.constant 0 : i32
    %dma_start3A_97 = tpu.memref_slice %arg2[%dma_start3A_95, %dma_start3A_96] : memref<1000000x64xf32, #tpu.memory_space<hbm>> -> memref<1000000x64xf32, #tpu.memory_space<hbm>>
    tpu.enqueue_indirect_dma source(%dma_start3A_97 : memref<1000000x64xf32, #tpu.memory_space<hbm>>) target(%dma_start3A_91 : memref<50x64xf32, #tpu.memory_space<vmem>>) offsets(%dma_start3A_94 : memref<50xi32, #tpu.memory_space<vmem>>) semaphore(%arg8 : memref<!tpu.dma_semaphore, #tpu.memory_space<semaphore_mem>>)
    %dma_start3A_98 = arith.constant 8 : i32
    %dma_start3A_99 = arith.constant 8 : i32
    %dma_start3A_100 = arith.constant 0 : i32
    %dma_start3A_101 = arith.constant 0 : i32
    %dma_start3A_102 = tpu.memref_slice %arg6[%dma_start3A_99, %dma_start3A_100, %dma_start3A_101] : memref<16x50x64xf32, #tpu.memory_space<vmem>> -> memref<1x50x64xf32, #tpu.memory_space<vmem>>
    %dma_start3A_103 = tpu.memref_squeeze %dma_start3A_102 : memref<1x50x64xf32, #tpu.memory_space<vmem>> -> memref<50x64xf32, #tpu.memory_space<vmem>>
    %dma_start3A_104 = arith.constant 0 : i32
    %dma_start3A_105 = tpu.memref_slice %arg5[%dma_start3A_98, %dma_start3A_104] : memref<512x50xi32, #tpu.memory_space<vmem>> -> memref<1x50xi32, #tpu.memory_space<vmem>>
    %dma_start3A_106 = tpu.memref_squeeze %dma_start3A_105 : memref<1x50xi32, #tpu.memory_space<vmem>> -> memref<50xi32, #tpu.memory_space<vmem>>
    %dma_start3A_107 = arith.constant 0 : i32
    %dma_start3A_108 = arith.constant 0 : i32
    %dma_start3A_109 = tpu.memref_slice %arg2[%dma_start3A_107, %dma_start3A_108] : memref<1000000x64xf32, #tpu.memory_space<hbm>> -> memref<1000000x64xf32, #tpu.memory_space<hbm>>
    tpu.enqueue_indirect_dma source(%dma_start3A_109 : memref<1000000x64xf32, #tpu.memory_space<hbm>>) target(%dma_start3A_103 : memref<50x64xf32, #tpu.memory_space<vmem>>) offsets(%dma_start3A_106 : memref<50xi32, #tpu.memory_space<vmem>>) semaphore(%arg8 : memref<!tpu.dma_semaphore, #tpu.memory_space<semaphore_mem>>)
    %dma_start3A_110 = arith.constant 9 : i32
    %dma_start3A_111 = arith.constant 9 : i32
    %dma_start3A_112 = arith.constant 0 : i32
    %dma_start3A_113 = arith.constant 0 : i32
    %dma_start3A_114 = tpu.memref_slice %arg6[%dma_start3A_111, %dma_start3A_112, %dma_start3A_113] : memref<16x50x64xf32, #tpu.memory_space<vmem>> -> memref<1x50x64xf32, #tpu.memory_space<vmem>>
    %dma_start3A_115 = tpu.memref_squeeze %dma_start3A_114 : memref<1x50x64xf32, #tpu.memory_space<vmem>> -> memref<50x64xf32, #tpu.memory_space<vmem>>
    %dma_start3A_116 = arith.constant 0 : i32
    %dma_start3A_117 = tpu.memref_slice %arg5[%dma_start3A_110, %dma_start3A_116] : memref<512x50xi32, #tpu.memory_space<vmem>> -> memref<1x50xi32, #tpu.memory_space<vmem>>
    %dma_start3A_118 = tpu.memref_squeeze %dma_start3A_117 : memref<1x50xi32, #tpu.memory_space<vmem>> -> memref<50xi32, #tpu.memory_space<vmem>>
    %dma_start3A_119 = arith.constant 0 : i32
    %dma_start3A_120 = arith.constant 0 : i32
    %dma_start3A_121 = tpu.memref_slice %arg2[%dma_start3A_119, %dma_start3A_120] : memref<1000000x64xf32, #tpu.memory_space<hbm>> -> memref<1000000x64xf32, #tpu.memory_space<hbm>>
    tpu.enqueue_indirect_dma source(%dma_start3A_121 : memref<1000000x64xf32, #tpu.memory_space<hbm>>) target(%dma_start3A_115 : memref<50x64xf32, #tpu.memory_space<vmem>>) offsets(%dma_start3A_118 : memref<50xi32, #tpu.memory_space<vmem>>) semaphore(%arg8 : memref<!tpu.dma_semaphore, #tpu.memory_space<semaphore_mem>>)
    %dma_start3A_122 = arith.constant 10 : i32
    %dma_start3A_123 = arith.constant 10 : i32
    %dma_start3A_124 = arith.constant 0 : i32
    %dma_start3A_125 = arith.constant 0 : i32
    %dma_start3A_126 = tpu.memref_slice %arg6[%dma_start3A_123, %dma_start3A_124, %dma_start3A_125] : memref<16x50x64xf32, #tpu.memory_space<vmem>> -> memref<1x50x64xf32, #tpu.memory_space<vmem>>
    %dma_start3A_127 = tpu.memref_squeeze %dma_start3A_126 : memref<1x50x64xf32, #tpu.memory_space<vmem>> -> memref<50x64xf32, #tpu.memory_space<vmem>>
    %dma_start3A_128 = arith.constant 0 : i32
    %dma_start3A_129 = tpu.memref_slice %arg5[%dma_start3A_122, %dma_start3A_128] : memref<512x50xi32, #tpu.memory_space<vmem>> -> memref<1x50xi32, #tpu.memory_space<vmem>>
    %dma_start3A_130 = tpu.memref_squeeze %dma_start3A_129 : memref<1x50xi32, #tpu.memory_space<vmem>> -> memref<50xi32, #tpu.memory_space<vmem>>
    %dma_start3A_131 = arith.constant 0 : i32
    %dma_start3A_132 = arith.constant 0 : i32
    %dma_start3A_133 = tpu.memref_slice %arg2[%dma_start3A_131, %dma_start3A_132] : memref<1000000x64xf32, #tpu.memory_space<hbm>> -> memref<1000000x64xf32, #tpu.memory_space<hbm>>
    tpu.enqueue_indirect_dma source(%dma_start3A_133 : memref<1000000x64xf32, #tpu.memory_space<hbm>>) target(%dma_start3A_127 : memref<50x64xf32, #tpu.memory_space<vmem>>) offsets(%dma_start3A_130 : memref<50xi32, #tpu.memory_space<vmem>>) semaphore(%arg8 : memref<!tpu.dma_semaphore, #tpu.memory_space<semaphore_mem>>)
    %dma_start3A_134 = arith.constant 11 : i32
    %dma_start3A_135 = arith.constant 11 : i32
    %dma_start3A_136 = arith.constant 0 : i32
    %dma_start3A_137 = arith.constant 0 : i32
    %dma_start3A_138 = tpu.memref_slice %arg6[%dma_start3A_135, %dma_start3A_136, %dma_start3A_137] : memref<16x50x64xf32, #tpu.memory_space<vmem>> -> memref<1x50x64xf32, #tpu.memory_space<vmem>>
    %dma_start3A_139 = tpu.memref_squeeze %dma_start3A_138 : memref<1x50x64xf32, #tpu.memory_space<vmem>> -> memref<50x64xf32, #tpu.memory_space<vmem>>
    %dma_start3A_140 = arith.constant 0 : i32
    %dma_start3A_141 = tpu.memref_slice %arg5[%dma_start3A_134, %dma_start3A_140] : memref<512x50xi32, #tpu.memory_space<vmem>> -> memref<1x50xi32, #tpu.memory_space<vmem>>
    %dma_start3A_142 = tpu.memref_squeeze %dma_start3A_141 : memref<1x50xi32, #tpu.memory_space<vmem>> -> memref<50xi32, #tpu.memory_space<vmem>>
    %dma_start3A_143 = arith.constant 0 : i32
    %dma_start3A_144 = arith.constant 0 : i32
    %dma_start3A_145 = tpu.memref_slice %arg2[%dma_start3A_143, %dma_start3A_144] : memref<1000000x64xf32, #tpu.memory_space<hbm>> -> memref<1000000x64xf32, #tpu.memory_space<hbm>>
    tpu.enqueue_indirect_dma source(%dma_start3A_145 : memref<1000000x64xf32, #tpu.memory_space<hbm>>) target(%dma_start3A_139 : memref<50x64xf32, #tpu.memory_space<vmem>>) offsets(%dma_start3A_142 : memref<50xi32, #tpu.memory_space<vmem>>) semaphore(%arg8 : memref<!tpu.dma_semaphore, #tpu.memory_space<semaphore_mem>>)
    %dma_start3A_146 = arith.constant 12 : i32
    %dma_start3A_147 = arith.constant 12 : i32
    %dma_start3A_148 = arith.constant 0 : i32
    %dma_start3A_149 = arith.constant 0 : i32
    %dma_start3A_150 = tpu.memref_slice %arg6[%dma_start3A_147, %dma_start3A_148, %dma_start3A_149] : memref<16x50x64xf32, #tpu.memory_space<vmem>> -> memref<1x50x64xf32, #tpu.memory_space<vmem>>
    %dma_start3A_151 = tpu.memref_squeeze %dma_start3A_150 : memref<1x50x64xf32, #tpu.memory_space<vmem>> -> memref<50x64xf32, #tpu.memory_space<vmem>>
    %dma_start3A_152 = arith.constant 0 : i32
    %dma_start3A_153 = tpu.memref_slice %arg5[%dma_start3A_146, %dma_start3A_152] : memref<512x50xi32, #tpu.memory_space<vmem>> -> memref<1x50xi32, #tpu.memory_space<vmem>>
    %dma_start3A_154 = tpu.memref_squeeze %dma_start3A_153 : memref<1x50xi32, #tpu.memory_space<vmem>> -> memref<50xi32, #tpu.memory_space<vmem>>
    %dma_start3A_155 = arith.constant 0 : i32
    %dma_start3A_156 = arith.constant 0 : i32
    %dma_start3A_157 = tpu.memref_slice %arg2[%dma_start3A_155, %dma_start3A_156] : memref<1000000x64xf32, #tpu.memory_space<hbm>> -> memref<1000000x64xf32, #tpu.memory_space<hbm>>
    tpu.enqueue_indirect_dma source(%dma_start3A_157 : memref<1000000x64xf32, #tpu.memory_space<hbm>>) target(%dma_start3A_151 : memref<50x64xf32, #tpu.memory_space<vmem>>) offsets(%dma_start3A_154 : memref<50xi32, #tpu.memory_space<vmem>>) semaphore(%arg8 : memref<!tpu.dma_semaphore, #tpu.memory_space<semaphore_mem>>)
    %dma_start3A_158 = arith.constant 13 : i32
    %dma_start3A_159 = arith.constant 13 : i32
    %dma_start3A_160 = arith.constant 0 : i32
    %dma_start3A_161 = arith.constant 0 : i32
    %dma_start3A_162 = tpu.memref_slice %arg6[%dma_start3A_159, %dma_start3A_160, %dma_start3A_161] : memref<16x50x64xf32, #tpu.memory_space<vmem>> -> memref<1x50x64xf32, #tpu.memory_space<vmem>>
    %dma_start3A_163 = tpu.memref_squeeze %dma_start3A_162 : memref<1x50x64xf32, #tpu.memory_space<vmem>> -> memref<50x64xf32, #tpu.memory_space<vmem>>
    %dma_start3A_164 = arith.constant 0 : i32
    %dma_start3A_165 = tpu.memref_slice %arg5[%dma_start3A_158, %dma_start3A_164] : memref<512x50xi32, #tpu.memory_space<vmem>> -> memref<1x50xi32, #tpu.memory_space<vmem>>
    %dma_start3A_166 = tpu.memref_squeeze %dma_start3A_165 : memref<1x50xi32, #tpu.memory_space<vmem>> -> memref<50xi32, #tpu.memory_space<vmem>>
    %dma_start3A_167 = arith.constant 0 : i32
    %dma_start3A_168 = arith.constant 0 : i32
    %dma_start3A_169 = tpu.memref_slice %arg2[%dma_start3A_167, %dma_start3A_168] : memref<1000000x64xf32, #tpu.memory_space<hbm>> -> memref<1000000x64xf32, #tpu.memory_space<hbm>>
    tpu.enqueue_indirect_dma source(%dma_start3A_169 : memref<1000000x64xf32, #tpu.memory_space<hbm>>) target(%dma_start3A_163 : memref<50x64xf32, #tpu.memory_space<vmem>>) offsets(%dma_start3A_166 : memref<50xi32, #tpu.memory_space<vmem>>) semaphore(%arg8 : memref<!tpu.dma_semaphore, #tpu.memory_space<semaphore_mem>>)
    %dma_start3A_170 = arith.constant 14 : i32
    %dma_start3A_171 = arith.constant 14 : i32
    %dma_start3A_172 = arith.constant 0 : i32
    %dma_start3A_173 = arith.constant 0 : i32
    %dma_start3A_174 = tpu.memref_slice %arg6[%dma_start3A_171, %dma_start3A_172, %dma_start3A_173] : memref<16x50x64xf32, #tpu.memory_space<vmem>> -> memref<1x50x64xf32, #tpu.memory_space<vmem>>
    %dma_start3A_175 = tpu.memref_squeeze %dma_start3A_174 : memref<1x50x64xf32, #tpu.memory_space<vmem>> -> memref<50x64xf32, #tpu.memory_space<vmem>>
    %dma_start3A_176 = arith.constant 0 : i32
    %dma_start3A_177 = tpu.memref_slice %arg5[%dma_start3A_170, %dma_start3A_176] : memref<512x50xi32, #tpu.memory_space<vmem>> -> memref<1x50xi32, #tpu.memory_space<vmem>>
    %dma_start3A_178 = tpu.memref_squeeze %dma_start3A_177 : memref<1x50xi32, #tpu.memory_space<vmem>> -> memref<50xi32, #tpu.memory_space<vmem>>
    %dma_start3A_179 = arith.constant 0 : i32
    %dma_start3A_180 = arith.constant 0 : i32
    %dma_start3A_181 = tpu.memref_slice %arg2[%dma_start3A_179, %dma_start3A_180] : memref<1000000x64xf32, #tpu.memory_space<hbm>> -> memref<1000000x64xf32, #tpu.memory_space<hbm>>
    tpu.enqueue_indirect_dma source(%dma_start3A_181 : memref<1000000x64xf32, #tpu.memory_space<hbm>>) target(%dma_start3A_175 : memref<50x64xf32, #tpu.memory_space<vmem>>) offsets(%dma_start3A_178 : memref<50xi32, #tpu.memory_space<vmem>>) semaphore(%arg8 : memref<!tpu.dma_semaphore, #tpu.memory_space<semaphore_mem>>)
    %dma_start3A_182 = arith.constant 15 : i32
    %dma_start3A_183 = arith.constant 15 : i32
    %dma_start3A_184 = arith.constant 0 : i32
    %dma_start3A_185 = arith.constant 0 : i32
    %dma_start3A_186 = tpu.memref_slice %arg6[%dma_start3A_183, %dma_start3A_184, %dma_start3A_185] : memref<16x50x64xf32, #tpu.memory_space<vmem>> -> memref<1x50x64xf32, #tpu.memory_space<vmem>>
    %dma_start3A_187 = tpu.memref_squeeze %dma_start3A_186 : memref<1x50x64xf32, #tpu.memory_space<vmem>> -> memref<50x64xf32, #tpu.memory_space<vmem>>
    %dma_start3A_188 = arith.constant 0 : i32
    %dma_start3A_189 = tpu.memref_slice %arg5[%dma_start3A_182, %dma_start3A_188] : memref<512x50xi32, #tpu.memory_space<vmem>> -> memref<1x50xi32, #tpu.memory_space<vmem>>
    %dma_start3A_190 = tpu.memref_squeeze %dma_start3A_189 : memref<1x50xi32, #tpu.memory_space<vmem>> -> memref<50xi32, #tpu.memory_space<vmem>>
    %dma_start3A_191 = arith.constant 0 : i32
    %dma_start3A_192 = arith.constant 0 : i32
    %dma_start3A_193 = tpu.memref_slice %arg2[%dma_start3A_191, %dma_start3A_192] : memref<1000000x64xf32, #tpu.memory_space<hbm>> -> memref<1000000x64xf32, #tpu.memory_space<hbm>>
    tpu.enqueue_indirect_dma source(%dma_start3A_193 : memref<1000000x64xf32, #tpu.memory_space<hbm>>) target(%dma_start3A_187 : memref<50x64xf32, #tpu.memory_space<vmem>>) offsets(%dma_start3A_190 : memref<50xi32, #tpu.memory_space<vmem>>) semaphore(%arg8 : memref<!tpu.dma_semaphore, #tpu.memory_space<semaphore_mem>>)
    %scan3A = arith.constant 0 : i32
    %scan3A_194 = arith.constant 16 : i32
    %scan3A_195 = arith.addi %scan3A, %scan3A_194 : i32
    %scan3A_196 = arith.constant 1 : i32
    scf.for %scan3A_209 = %scan3A to %scan3A_195 step %scan3A_196  : i32 {
      %mul3A_210 = arith.constant 1 : i32
      %mul3A_211 = arith.muli %scan3A_209, %mul3A_210 : i32
      %add3A_212 = arith.constant 0 : i32
      %add3A_213 = arith.addi %add3A_212, %mul3A_211 : i32
      %mul3A_214 = arith.constant 2 : i32
      %mul3A_215 = arith.muli %mul3A_214, %add3A_213 : i32
      %gt3A = arith.constant 0 : i32
      %gt3A_216 = arith.cmpi sgt, %add3A_213, %gt3A : i32
      %convert_element_type3A = arith.extui %gt3A_216 : i1 to i32
      %cond3A = arith.constant 0 : i32
      %cond3A_217 = arith.cmpi ne, %convert_element_type3A, %cond3A : i32
      scf.if %cond3A_217 {
        %dma_wait3A_868 = arith.constant 0 : i32
        %dma_wait3A_869 = arith.constant 0 : i32
        %dma_wait3A_870 = tpu.memref_slice %arg4[%mul3A_2, %dma_wait3A_868, %dma_wait3A_869] : memref<16384x50x64xf32, #tpu.memory_space<hbm>> -> memref<16x50x64xf32, #tpu.memory_space<hbm>>
        %dma_wait3A_871 = arith.constant 0 : i32
        %dma_wait3A_872 = arith.constant 0 : i32
        %dma_wait3A_873 = tpu.memref_slice %arg4[%mul3A_2, %dma_wait3A_871, %dma_wait3A_872] : memref<16384x50x64xf32, #tpu.memory_space<hbm>> -> memref<16x50x64xf32, #tpu.memory_space<hbm>>
        tpu.wait_dma2 semaphore(%arg11 : memref<!tpu.dma_semaphore, #tpu.memory_space<semaphore_mem>>) src(%arg7 : memref<16x50x64xf32, #tpu.memory_space<vmem>>) dst(%dma_wait3A_873 : memref<16x50x64xf32, #tpu.memory_space<hbm>>)
      } else {
      }
      %add3A_218 = arith.constant 1 : i32
      %add3A_219 = arith.addi %mul3A_215, %add3A_218 : i32
      %mul3A_220 = arith.constant 16 : i32
      %mul3A_221 = arith.muli %add3A_219, %mul3A_220 : i32
      %add3A_222 = arith.constant 0 : i32
      %add3A_223 = arith.addi %mul3A_221, %add3A_222 : i32
      %dma_start3A_224 = arith.constant 0 : i32
      %dma_start3A_225 = arith.constant 0 : i32
      %dma_start3A_226 = arith.constant 0 : i32
      %dma_start3A_227 = tpu.memref_slice %arg7[%dma_start3A_224, %dma_start3A_225, %dma_start3A_226] : memref<16x50x64xf32, #tpu.memory_space<vmem>> -> memref<1x50x64xf32, #tpu.memory_space<vmem>>
      %dma_start3A_228 = tpu.memref_squeeze %dma_start3A_227 : memref<1x50x64xf32, #tpu.memory_space<vmem>> -> memref<50x64xf32, #tpu.memory_space<vmem>>
      %dma_start3A_229 = arith.constant 0 : i32
      %dma_start3A_230 = tpu.memref_slice %arg5[%add3A_223, %dma_start3A_229] : memref<512x50xi32, #tpu.memory_space<vmem>> -> memref<1x50xi32, #tpu.memory_space<vmem>>
      %dma_start3A_231 = tpu.memref_squeeze %dma_start3A_230 : memref<1x50xi32, #tpu.memory_space<vmem>> -> memref<50xi32, #tpu.memory_space<vmem>>
      %dma_start3A_232 = arith.constant 0 : i32
      %dma_start3A_233 = arith.constant 0 : i32
      %dma_start3A_234 = tpu.memref_slice %arg2[%dma_start3A_232, %dma_start3A_233] : memref<1000000x64xf32, #tpu.memory_space<hbm>> -> memref<1000000x64xf32, #tpu.memory_space<hbm>>
      tpu.enqueue_indirect_dma source(%dma_start3A_234 : memref<1000000x64xf32, #tpu.memory_space<hbm>>) target(%dma_start3A_228 : memref<50x64xf32, #tpu.memory_space<vmem>>) offsets(%dma_start3A_231 : memref<50xi32, #tpu.memory_space<vmem>>) semaphore(%arg9 : memref<!tpu.dma_semaphore, #tpu.memory_space<semaphore_mem>>)
      %mul3A_235 = arith.constant 16 : i32
      %mul3A_236 = arith.muli %add3A_219, %mul3A_235 : i32
      %add3A_237 = arith.constant 1 : i32
      %add3A_238 = arith.addi %mul3A_236, %add3A_237 : i32
      %dma_start3A_239 = arith.constant 1 : i32
      %dma_start3A_240 = arith.constant 0 : i32
      %dma_start3A_241 = arith.constant 0 : i32
      %dma_start3A_242 = tpu.memref_slice %arg7[%dma_start3A_239, %dma_start3A_240, %dma_start3A_241] : memref<16x50x64xf32, #tpu.memory_space<vmem>> -> memref<1x50x64xf32, #tpu.memory_space<vmem>>
      %dma_start3A_243 = tpu.memref_squeeze %dma_start3A_242 : memref<1x50x64xf32, #tpu.memory_space<vmem>> -> memref<50x64xf32, #tpu.memory_space<vmem>>
      %dma_start3A_244 = arith.constant 0 : i32
      %dma_start3A_245 = tpu.memref_slice %arg5[%add3A_238, %dma_start3A_244] : memref<512x50xi32, #tpu.memory_space<vmem>> -> memref<1x50xi32, #tpu.memory_space<vmem>>
      %dma_start3A_246 = tpu.memref_squeeze %dma_start3A_245 : memref<1x50xi32, #tpu.memory_space<vmem>> -> memref<50xi32, #tpu.memory_space<vmem>>
      %dma_start3A_247 = arith.constant 0 : i32
      %dma_start3A_248 = arith.constant 0 : i32
      %dma_start3A_249 = tpu.memref_slice %arg2[%dma_start3A_247, %dma_start3A_248] : memref<1000000x64xf32, #tpu.memory_space<hbm>> -> memref<1000000x64xf32, #tpu.memory_space<hbm>>
      tpu.enqueue_indirect_dma source(%dma_start3A_249 : memref<1000000x64xf32, #tpu.memory_space<hbm>>) target(%dma_start3A_243 : memref<50x64xf32, #tpu.memory_space<vmem>>) offsets(%dma_start3A_246 : memref<50xi32, #tpu.memory_space<vmem>>) semaphore(%arg9 : memref<!tpu.dma_semaphore, #tpu.memory_space<semaphore_mem>>)
      %mul3A_250 = arith.constant 16 : i32
      %mul3A_251 = arith.muli %add3A_219, %mul3A_250 : i32
      %add3A_252 = arith.constant 2 : i32
      %add3A_253 = arith.addi %mul3A_251, %add3A_252 : i32
      %dma_start3A_254 = arith.constant 2 : i32
      %dma_start3A_255 = arith.constant 0 : i32
      %dma_start3A_256 = arith.constant 0 : i32
      %dma_start3A_257 = tpu.memref_slice %arg7[%dma_start3A_254, %dma_start3A_255, %dma_start3A_256] : memref<16x50x64xf32, #tpu.memory_space<vmem>> -> memref<1x50x64xf32, #tpu.memory_space<vmem>>
      %dma_start3A_258 = tpu.memref_squeeze %dma_start3A_257 : memref<1x50x64xf32, #tpu.memory_space<vmem>> -> memref<50x64xf32, #tpu.memory_space<vmem>>
      %dma_start3A_259 = arith.constant 0 : i32
      %dma_start3A_260 = tpu.memref_slice %arg5[%add3A_253, %dma_start3A_259] : memref<512x50xi32, #tpu.memory_space<vmem>> -> memref<1x50xi32, #tpu.memory_space<vmem>>
      %dma_start3A_261 = tpu.memref_squeeze %dma_start3A_260 : memref<1x50xi32, #tpu.memory_space<vmem>> -> memref<50xi32, #tpu.memory_space<vmem>>
      %dma_start3A_262 = arith.constant 0 : i32
      %dma_start3A_263 = arith.constant 0 : i32
      %dma_start3A_264 = tpu.memref_slice %arg2[%dma_start3A_262, %dma_start3A_263] : memref<1000000x64xf32, #tpu.memory_space<hbm>> -> memref<1000000x64xf32, #tpu.memory_space<hbm>>
      tpu.enqueue_indirect_dma source(%dma_start3A_264 : memref<1000000x64xf32, #tpu.memory_space<hbm>>) target(%dma_start3A_258 : memref<50x64xf32, #tpu.memory_space<vmem>>) offsets(%dma_start3A_261 : memref<50xi32, #tpu.memory_space<vmem>>) semaphore(%arg9 : memref<!tpu.dma_semaphore, #tpu.memory_space<semaphore_mem>>)
      %mul3A_265 = arith.constant 16 : i32
      %mul3A_266 = arith.muli %add3A_219, %mul3A_265 : i32
      %add3A_267 = arith.constant 3 : i32
      %add3A_268 = arith.addi %mul3A_266, %add3A_267 : i32
      %dma_start3A_269 = arith.constant 3 : i32
      %dma_start3A_270 = arith.constant 0 : i32
      %dma_start3A_271 = arith.constant 0 : i32
      %dma_start3A_272 = tpu.memref_slice %arg7[%dma_start3A_269, %dma_start3A_270, %dma_start3A_271] : memref<16x50x64xf32, #tpu.memory_space<vmem>> -> memref<1x50x64xf32, #tpu.memory_space<vmem>>
      %dma_start3A_273 = tpu.memref_squeeze %dma_start3A_272 : memref<1x50x64xf32, #tpu.memory_space<vmem>> -> memref<50x64xf32, #tpu.memory_space<vmem>>
      %dma_start3A_274 = arith.constant 0 : i32
      %dma_start3A_275 = tpu.memref_slice %arg5[%add3A_268, %dma_start3A_274] : memref<512x50xi32, #tpu.memory_space<vmem>> -> memref<1x50xi32, #tpu.memory_space<vmem>>
      %dma_start3A_276 = tpu.memref_squeeze %dma_start3A_275 : memref<1x50xi32, #tpu.memory_space<vmem>> -> memref<50xi32, #tpu.memory_space<vmem>>
      %dma_start3A_277 = arith.constant 0 : i32
      %dma_start3A_278 = arith.constant 0 : i32
      %dma_start3A_279 = tpu.memref_slice %arg2[%dma_start3A_277, %dma_start3A_278] : memref<1000000x64xf32, #tpu.memory_space<hbm>> -> memref<1000000x64xf32, #tpu.memory_space<hbm>>
      tpu.enqueue_indirect_dma source(%dma_start3A_279 : memref<1000000x64xf32, #tpu.memory_space<hbm>>) target(%dma_start3A_273 : memref<50x64xf32, #tpu.memory_space<vmem>>) offsets(%dma_start3A_276 : memref<50xi32, #tpu.memory_space<vmem>>) semaphore(%arg9 : memref<!tpu.dma_semaphore, #tpu.memory_space<semaphore_mem>>)
      %mul3A_280 = arith.constant 16 : i32
      %mul3A_281 = arith.muli %add3A_219, %mul3A_280 : i32
      %add3A_282 = arith.constant 4 : i32
      %add3A_283 = arith.addi %mul3A_281, %add3A_282 : i32
      %dma_start3A_284 = arith.constant 4 : i32
      %dma_start3A_285 = arith.constant 0 : i32
      %dma_start3A_286 = arith.constant 0 : i32
      %dma_start3A_287 = tpu.memref_slice %arg7[%dma_start3A_284, %dma_start3A_285, %dma_start3A_286] : memref<16x50x64xf32, #tpu.memory_space<vmem>> -> memref<1x50x64xf32, #tpu.memory_space<vmem>>
      %dma_start3A_288 = tpu.memref_squeeze %dma_start3A_287 : memref<1x50x64xf32, #tpu.memory_space<vmem>> -> memref<50x64xf32, #tpu.memory_space<vmem>>
      %dma_start3A_289 = arith.constant 0 : i32
      %dma_start3A_290 = tpu.memref_slice %arg5[%add3A_283, %dma_start3A_289] : memref<512x50xi32, #tpu.memory_space<vmem>> -> memref<1x50xi32, #tpu.memory_space<vmem>>
      %dma_start3A_291 = tpu.memref_squeeze %dma_start3A_290 : memref<1x50xi32, #tpu.memory_space<vmem>> -> memref<50xi32, #tpu.memory_space<vmem>>
      %dma_start3A_292 = arith.constant 0 : i32
      %dma_start3A_293 = arith.constant 0 : i32
      %dma_start3A_294 = tpu.memref_slice %arg2[%dma_start3A_292, %dma_start3A_293] : memref<1000000x64xf32, #tpu.memory_space<hbm>> -> memref<1000000x64xf32, #tpu.memory_space<hbm>>
      tpu.enqueue_indirect_dma source(%dma_start3A_294 : memref<1000000x64xf32, #tpu.memory_space<hbm>>) target(%dma_start3A_288 : memref<50x64xf32, #tpu.memory_space<vmem>>) offsets(%dma_start3A_291 : memref<50xi32, #tpu.memory_space<vmem>>) semaphore(%arg9 : memref<!tpu.dma_semaphore, #tpu.memory_space<semaphore_mem>>)
      %mul3A_295 = arith.constant 16 : i32
      %mul3A_296 = arith.muli %add3A_219, %mul3A_295 : i32
      %add3A_297 = arith.constant 5 : i32
      %add3A_298 = arith.addi %mul3A_296, %add3A_297 : i32
      %dma_start3A_299 = arith.constant 5 : i32
      %dma_start3A_300 = arith.constant 0 : i32
      %dma_start3A_301 = arith.constant 0 : i32
      %dma_start3A_302 = tpu.memref_slice %arg7[%dma_start3A_299, %dma_start3A_300, %dma_start3A_301] : memref<16x50x64xf32, #tpu.memory_space<vmem>> -> memref<1x50x64xf32, #tpu.memory_space<vmem>>
      %dma_start3A_303 = tpu.memref_squeeze %dma_start3A_302 : memref<1x50x64xf32, #tpu.memory_space<vmem>> -> memref<50x64xf32, #tpu.memory_space<vmem>>
      %dma_start3A_304 = arith.constant 0 : i32
      %dma_start3A_305 = tpu.memref_slice %arg5[%add3A_298, %dma_start3A_304] : memref<512x50xi32, #tpu.memory_space<vmem>> -> memref<1x50xi32, #tpu.memory_space<vmem>>
      %dma_start3A_306 = tpu.memref_squeeze %dma_start3A_305 : memref<1x50xi32, #tpu.memory_space<vmem>> -> memref<50xi32, #tpu.memory_space<vmem>>
      %dma_start3A_307 = arith.constant 0 : i32
      %dma_start3A_308 = arith.constant 0 : i32
      %dma_start3A_309 = tpu.memref_slice %arg2[%dma_start3A_307, %dma_start3A_308] : memref<1000000x64xf32, #tpu.memory_space<hbm>> -> memref<1000000x64xf32, #tpu.memory_space<hbm>>
      tpu.enqueue_indirect_dma source(%dma_start3A_309 : memref<1000000x64xf32, #tpu.memory_space<hbm>>) target(%dma_start3A_303 : memref<50x64xf32, #tpu.memory_space<vmem>>) offsets(%dma_start3A_306 : memref<50xi32, #tpu.memory_space<vmem>>) semaphore(%arg9 : memref<!tpu.dma_semaphore, #tpu.memory_space<semaphore_mem>>)
      %mul3A_310 = arith.constant 16 : i32
      %mul3A_311 = arith.muli %add3A_219, %mul3A_310 : i32
      %add3A_312 = arith.constant 6 : i32
      %add3A_313 = arith.addi %mul3A_311, %add3A_312 : i32
      %dma_start3A_314 = arith.constant 6 : i32
      %dma_start3A_315 = arith.constant 0 : i32
      %dma_start3A_316 = arith.constant 0 : i32
      %dma_start3A_317 = tpu.memref_slice %arg7[%dma_start3A_314, %dma_start3A_315, %dma_start3A_316] : memref<16x50x64xf32, #tpu.memory_space<vmem>> -> memref<1x50x64xf32, #tpu.memory_space<vmem>>
      %dma_start3A_318 = tpu.memref_squeeze %dma_start3A_317 : memref<1x50x64xf32, #tpu.memory_space<vmem>> -> memref<50x64xf32, #tpu.memory_space<vmem>>
      %dma_start3A_319 = arith.constant 0 : i32
      %dma_start3A_320 = tpu.memref_slice %arg5[%add3A_313, %dma_start3A_319] : memref<512x50xi32, #tpu.memory_space<vmem>> -> memref<1x50xi32, #tpu.memory_space<vmem>>
      %dma_start3A_321 = tpu.memref_squeeze %dma_start3A_320 : memref<1x50xi32, #tpu.memory_space<vmem>> -> memref<50xi32, #tpu.memory_space<vmem>>
      %dma_start3A_322 = arith.constant 0 : i32
      %dma_start3A_323 = arith.constant 0 : i32
      %dma_start3A_324 = tpu.memref_slice %arg2[%dma_start3A_322, %dma_start3A_323] : memref<1000000x64xf32, #tpu.memory_space<hbm>> -> memref<1000000x64xf32, #tpu.memory_space<hbm>>
      tpu.enqueue_indirect_dma source(%dma_start3A_324 : memref<1000000x64xf32, #tpu.memory_space<hbm>>) target(%dma_start3A_318 : memref<50x64xf32, #tpu.memory_space<vmem>>) offsets(%dma_start3A_321 : memref<50xi32, #tpu.memory_space<vmem>>) semaphore(%arg9 : memref<!tpu.dma_semaphore, #tpu.memory_space<semaphore_mem>>)
      %mul3A_325 = arith.constant 16 : i32
      %mul3A_326 = arith.muli %add3A_219, %mul3A_325 : i32
      %add3A_327 = arith.constant 7 : i32
      %add3A_328 = arith.addi %mul3A_326, %add3A_327 : i32
      %dma_start3A_329 = arith.constant 7 : i32
      %dma_start3A_330 = arith.constant 0 : i32
      %dma_start3A_331 = arith.constant 0 : i32
      %dma_start3A_332 = tpu.memref_slice %arg7[%dma_start3A_329, %dma_start3A_330, %dma_start3A_331] : memref<16x50x64xf32, #tpu.memory_space<vmem>> -> memref<1x50x64xf32, #tpu.memory_space<vmem>>
      %dma_start3A_333 = tpu.memref_squeeze %dma_start3A_332 : memref<1x50x64xf32, #tpu.memory_space<vmem>> -> memref<50x64xf32, #tpu.memory_space<vmem>>
      %dma_start3A_334 = arith.constant 0 : i32
      %dma_start3A_335 = tpu.memref_slice %arg5[%add3A_328, %dma_start3A_334] : memref<512x50xi32, #tpu.memory_space<vmem>> -> memref<1x50xi32, #tpu.memory_space<vmem>>
      %dma_start3A_336 = tpu.memref_squeeze %dma_start3A_335 : memref<1x50xi32, #tpu.memory_space<vmem>> -> memref<50xi32, #tpu.memory_space<vmem>>
      %dma_start3A_337 = arith.constant 0 : i32
      %dma_start3A_338 = arith.constant 0 : i32
      %dma_start3A_339 = tpu.memref_slice %arg2[%dma_start3A_337, %dma_start3A_338] : memref<1000000x64xf32, #tpu.memory_space<hbm>> -> memref<1000000x64xf32, #tpu.memory_space<hbm>>
      tpu.enqueue_indirect_dma source(%dma_start3A_339 : memref<1000000x64xf32, #tpu.memory_space<hbm>>) target(%dma_start3A_333 : memref<50x64xf32, #tpu.memory_space<vmem>>) offsets(%dma_start3A_336 : memref<50xi32, #tpu.memory_space<vmem>>) semaphore(%arg9 : memref<!tpu.dma_semaphore, #tpu.memory_space<semaphore_mem>>)
      %mul3A_340 = arith.constant 16 : i32
      %mul3A_341 = arith.muli %add3A_219, %mul3A_340 : i32
      %add3A_342 = arith.constant 8 : i32
      %add3A_343 = arith.addi %mul3A_341, %add3A_342 : i32
      %dma_start3A_344 = arith.constant 8 : i32
      %dma_start3A_345 = arith.constant 0 : i32
      %dma_start3A_346 = arith.constant 0 : i32
      %dma_start3A_347 = tpu.memref_slice %arg7[%dma_start3A_344, %dma_start3A_345, %dma_start3A_346] : memref<16x50x64xf32, #tpu.memory_space<vmem>> -> memref<1x50x64xf32, #tpu.memory_space<vmem>>
      %dma_start3A_348 = tpu.memref_squeeze %dma_start3A_347 : memref<1x50x64xf32, #tpu.memory_space<vmem>> -> memref<50x64xf32, #tpu.memory_space<vmem>>
      %dma_start3A_349 = arith.constant 0 : i32
      %dma_start3A_350 = tpu.memref_slice %arg5[%add3A_343, %dma_start3A_349] : memref<512x50xi32, #tpu.memory_space<vmem>> -> memref<1x50xi32, #tpu.memory_space<vmem>>
      %dma_start3A_351 = tpu.memref_squeeze %dma_start3A_350 : memref<1x50xi32, #tpu.memory_space<vmem>> -> memref<50xi32, #tpu.memory_space<vmem>>
      %dma_start3A_352 = arith.constant 0 : i32
      %dma_start3A_353 = arith.constant 0 : i32
      %dma_start3A_354 = tpu.memref_slice %arg2[%dma_start3A_352, %dma_start3A_353] : memref<1000000x64xf32, #tpu.memory_space<hbm>> -> memref<1000000x64xf32, #tpu.memory_space<hbm>>
      tpu.enqueue_indirect_dma source(%dma_start3A_354 : memref<1000000x64xf32, #tpu.memory_space<hbm>>) target(%dma_start3A_348 : memref<50x64xf32, #tpu.memory_space<vmem>>) offsets(%dma_start3A_351 : memref<50xi32, #tpu.memory_space<vmem>>) semaphore(%arg9 : memref<!tpu.dma_semaphore, #tpu.memory_space<semaphore_mem>>)
      %mul3A_355 = arith.constant 16 : i32
      %mul3A_356 = arith.muli %add3A_219, %mul3A_355 : i32
      %add3A_357 = arith.constant 9 : i32
      %add3A_358 = arith.addi %mul3A_356, %add3A_357 : i32
      %dma_start3A_359 = arith.constant 9 : i32
      %dma_start3A_360 = arith.constant 0 : i32
      %dma_start3A_361 = arith.constant 0 : i32
      %dma_start3A_362 = tpu.memref_slice %arg7[%dma_start3A_359, %dma_start3A_360, %dma_start3A_361] : memref<16x50x64xf32, #tpu.memory_space<vmem>> -> memref<1x50x64xf32, #tpu.memory_space<vmem>>
      %dma_start3A_363 = tpu.memref_squeeze %dma_start3A_362 : memref<1x50x64xf32, #tpu.memory_space<vmem>> -> memref<50x64xf32, #tpu.memory_space<vmem>>
      %dma_start3A_364 = arith.constant 0 : i32
      %dma_start3A_365 = tpu.memref_slice %arg5[%add3A_358, %dma_start3A_364] : memref<512x50xi32, #tpu.memory_space<vmem>> -> memref<1x50xi32, #tpu.memory_space<vmem>>
      %dma_start3A_366 = tpu.memref_squeeze %dma_start3A_365 : memref<1x50xi32, #tpu.memory_space<vmem>> -> memref<50xi32, #tpu.memory_space<vmem>>
      %dma_start3A_367 = arith.constant 0 : i32
      %dma_start3A_368 = arith.constant 0 : i32
      %dma_start3A_369 = tpu.memref_slice %arg2[%dma_start3A_367, %dma_start3A_368] : memref<1000000x64xf32, #tpu.memory_space<hbm>> -> memref<1000000x64xf32, #tpu.memory_space<hbm>>
      tpu.enqueue_indirect_dma source(%dma_start3A_369 : memref<1000000x64xf32, #tpu.memory_space<hbm>>) target(%dma_start3A_363 : memref<50x64xf32, #tpu.memory_space<vmem>>) offsets(%dma_start3A_366 : memref<50xi32, #tpu.memory_space<vmem>>) semaphore(%arg9 : memref<!tpu.dma_semaphore, #tpu.memory_space<semaphore_mem>>)
      %mul3A_370 = arith.constant 16 : i32
      %mul3A_371 = arith.muli %add3A_219, %mul3A_370 : i32
      %add3A_372 = arith.constant 10 : i32
      %add3A_373 = arith.addi %mul3A_371, %add3A_372 : i32
      %dma_start3A_374 = arith.constant 10 : i32
      %dma_start3A_375 = arith.constant 0 : i32
      %dma_start3A_376 = arith.constant 0 : i32
      %dma_start3A_377 = tpu.memref_slice %arg7[%dma_start3A_374, %dma_start3A_375, %dma_start3A_376] : memref<16x50x64xf32, #tpu.memory_space<vmem>> -> memref<1x50x64xf32, #tpu.memory_space<vmem>>
      %dma_start3A_378 = tpu.memref_squeeze %dma_start3A_377 : memref<1x50x64xf32, #tpu.memory_space<vmem>> -> memref<50x64xf32, #tpu.memory_space<vmem>>
      %dma_start3A_379 = arith.constant 0 : i32
      %dma_start3A_380 = tpu.memref_slice %arg5[%add3A_373, %dma_start3A_379] : memref<512x50xi32, #tpu.memory_space<vmem>> -> memref<1x50xi32, #tpu.memory_space<vmem>>
      %dma_start3A_381 = tpu.memref_squeeze %dma_start3A_380 : memref<1x50xi32, #tpu.memory_space<vmem>> -> memref<50xi32, #tpu.memory_space<vmem>>
      %dma_start3A_382 = arith.constant 0 : i32
      %dma_start3A_383 = arith.constant 0 : i32
      %dma_start3A_384 = tpu.memref_slice %arg2[%dma_start3A_382, %dma_start3A_383] : memref<1000000x64xf32, #tpu.memory_space<hbm>> -> memref<1000000x64xf32, #tpu.memory_space<hbm>>
      tpu.enqueue_indirect_dma source(%dma_start3A_384 : memref<1000000x64xf32, #tpu.memory_space<hbm>>) target(%dma_start3A_378 : memref<50x64xf32, #tpu.memory_space<vmem>>) offsets(%dma_start3A_381 : memref<50xi32, #tpu.memory_space<vmem>>) semaphore(%arg9 : memref<!tpu.dma_semaphore, #tpu.memory_space<semaphore_mem>>)
      %mul3A_385 = arith.constant 16 : i32
      %mul3A_386 = arith.muli %add3A_219, %mul3A_385 : i32
      %add3A_387 = arith.constant 11 : i32
      %add3A_388 = arith.addi %mul3A_386, %add3A_387 : i32
      %dma_start3A_389 = arith.constant 11 : i32
      %dma_start3A_390 = arith.constant 0 : i32
      %dma_start3A_391 = arith.constant 0 : i32
      %dma_start3A_392 = tpu.memref_slice %arg7[%dma_start3A_389, %dma_start3A_390, %dma_start3A_391] : memref<16x50x64xf32, #tpu.memory_space<vmem>> -> memref<1x50x64xf32, #tpu.memory_space<vmem>>
      %dma_start3A_393 = tpu.memref_squeeze %dma_start3A_392 : memref<1x50x64xf32, #tpu.memory_space<vmem>> -> memref<50x64xf32, #tpu.memory_space<vmem>>
      %dma_start3A_394 = arith.constant 0 : i32
      %dma_start3A_395 = tpu.memref_slice %arg5[%add3A_388, %dma_start3A_394] : memref<512x50xi32, #tpu.memory_space<vmem>> -> memref<1x50xi32, #tpu.memory_space<vmem>>
      %dma_start3A_396 = tpu.memref_squeeze %dma_start3A_395 : memref<1x50xi32, #tpu.memory_space<vmem>> -> memref<50xi32, #tpu.memory_space<vmem>>
      %dma_start3A_397 = arith.constant 0 : i32
      %dma_start3A_398 = arith.constant 0 : i32
      %dma_start3A_399 = tpu.memref_slice %arg2[%dma_start3A_397, %dma_start3A_398] : memref<1000000x64xf32, #tpu.memory_space<hbm>> -> memref<1000000x64xf32, #tpu.memory_space<hbm>>
      tpu.enqueue_indirect_dma source(%dma_start3A_399 : memref<1000000x64xf32, #tpu.memory_space<hbm>>) target(%dma_start3A_393 : memref<50x64xf32, #tpu.memory_space<vmem>>) offsets(%dma_start3A_396 : memref<50xi32, #tpu.memory_space<vmem>>) semaphore(%arg9 : memref<!tpu.dma_semaphore, #tpu.memory_space<semaphore_mem>>)
      %mul3A_400 = arith.constant 16 : i32
      %mul3A_401 = arith.muli %add3A_219, %mul3A_400 : i32
      %add3A_402 = arith.constant 12 : i32
      %add3A_403 = arith.addi %mul3A_401, %add3A_402 : i32
      %dma_start3A_404 = arith.constant 12 : i32
      %dma_start3A_405 = arith.constant 0 : i32
      %dma_start3A_406 = arith.constant 0 : i32
      %dma_start3A_407 = tpu.memref_slice %arg7[%dma_start3A_404, %dma_start3A_405, %dma_start3A_406] : memref<16x50x64xf32, #tpu.memory_space<vmem>> -> memref<1x50x64xf32, #tpu.memory_space<vmem>>
      %dma_start3A_408 = tpu.memref_squeeze %dma_start3A_407 : memref<1x50x64xf32, #tpu.memory_space<vmem>> -> memref<50x64xf32, #tpu.memory_space<vmem>>
      %dma_start3A_409 = arith.constant 0 : i32
      %dma_start3A_410 = tpu.memref_slice %arg5[%add3A_403, %dma_start3A_409] : memref<512x50xi32, #tpu.memory_space<vmem>> -> memref<1x50xi32, #tpu.memory_space<vmem>>
      %dma_start3A_411 = tpu.memref_squeeze %dma_start3A_410 : memref<1x50xi32, #tpu.memory_space<vmem>> -> memref<50xi32, #tpu.memory_space<vmem>>
      %dma_start3A_412 = arith.constant 0 : i32
      %dma_start3A_413 = arith.constant 0 : i32
      %dma_start3A_414 = tpu.memref_slice %arg2[%dma_start3A_412, %dma_start3A_413] : memref<1000000x64xf32, #tpu.memory_space<hbm>> -> memref<1000000x64xf32, #tpu.memory_space<hbm>>
      tpu.enqueue_indirect_dma source(%dma_start3A_414 : memref<1000000x64xf32, #tpu.memory_space<hbm>>) target(%dma_start3A_408 : memref<50x64xf32, #tpu.memory_space<vmem>>) offsets(%dma_start3A_411 : memref<50xi32, #tpu.memory_space<vmem>>) semaphore(%arg9 : memref<!tpu.dma_semaphore, #tpu.memory_space<semaphore_mem>>)
      %mul3A_415 = arith.constant 16 : i32
      %mul3A_416 = arith.muli %add3A_219, %mul3A_415 : i32
      %add3A_417 = arith.constant 13 : i32
      %add3A_418 = arith.addi %mul3A_416, %add3A_417 : i32
      %dma_start3A_419 = arith.constant 13 : i32
      %dma_start3A_420 = arith.constant 0 : i32
      %dma_start3A_421 = arith.constant 0 : i32
      %dma_start3A_422 = tpu.memref_slice %arg7[%dma_start3A_419, %dma_start3A_420, %dma_start3A_421] : memref<16x50x64xf32, #tpu.memory_space<vmem>> -> memref<1x50x64xf32, #tpu.memory_space<vmem>>
      %dma_start3A_423 = tpu.memref_squeeze %dma_start3A_422 : memref<1x50x64xf32, #tpu.memory_space<vmem>> -> memref<50x64xf32, #tpu.memory_space<vmem>>
      %dma_start3A_424 = arith.constant 0 : i32
      %dma_start3A_425 = tpu.memref_slice %arg5[%add3A_418, %dma_start3A_424] : memref<512x50xi32, #tpu.memory_space<vmem>> -> memref<1x50xi32, #tpu.memory_space<vmem>>
      %dma_start3A_426 = tpu.memref_squeeze %dma_start3A_425 : memref<1x50xi32, #tpu.memory_space<vmem>> -> memref<50xi32, #tpu.memory_space<vmem>>
      %dma_start3A_427 = arith.constant 0 : i32
      %dma_start3A_428 = arith.constant 0 : i32
      %dma_start3A_429 = tpu.memref_slice %arg2[%dma_start3A_427, %dma_start3A_428] : memref<1000000x64xf32, #tpu.memory_space<hbm>> -> memref<1000000x64xf32, #tpu.memory_space<hbm>>
      tpu.enqueue_indirect_dma source(%dma_start3A_429 : memref<1000000x64xf32, #tpu.memory_space<hbm>>) target(%dma_start3A_423 : memref<50x64xf32, #tpu.memory_space<vmem>>) offsets(%dma_start3A_426 : memref<50xi32, #tpu.memory_space<vmem>>) semaphore(%arg9 : memref<!tpu.dma_semaphore, #tpu.memory_space<semaphore_mem>>)
      %mul3A_430 = arith.constant 16 : i32
      %mul3A_431 = arith.muli %add3A_219, %mul3A_430 : i32
      %add3A_432 = arith.constant 14 : i32
      %add3A_433 = arith.addi %mul3A_431, %add3A_432 : i32
      %dma_start3A_434 = arith.constant 14 : i32
      %dma_start3A_435 = arith.constant 0 : i32
      %dma_start3A_436 = arith.constant 0 : i32
      %dma_start3A_437 = tpu.memref_slice %arg7[%dma_start3A_434, %dma_start3A_435, %dma_start3A_436] : memref<16x50x64xf32, #tpu.memory_space<vmem>> -> memref<1x50x64xf32, #tpu.memory_space<vmem>>
      %dma_start3A_438 = tpu.memref_squeeze %dma_start3A_437 : memref<1x50x64xf32, #tpu.memory_space<vmem>> -> memref<50x64xf32, #tpu.memory_space<vmem>>
      %dma_start3A_439 = arith.constant 0 : i32
      %dma_start3A_440 = tpu.memref_slice %arg5[%add3A_433, %dma_start3A_439] : memref<512x50xi32, #tpu.memory_space<vmem>> -> memref<1x50xi32, #tpu.memory_space<vmem>>
      %dma_start3A_441 = tpu.memref_squeeze %dma_start3A_440 : memref<1x50xi32, #tpu.memory_space<vmem>> -> memref<50xi32, #tpu.memory_space<vmem>>
      %dma_start3A_442 = arith.constant 0 : i32
      %dma_start3A_443 = arith.constant 0 : i32
      %dma_start3A_444 = tpu.memref_slice %arg2[%dma_start3A_442, %dma_start3A_443] : memref<1000000x64xf32, #tpu.memory_space<hbm>> -> memref<1000000x64xf32, #tpu.memory_space<hbm>>
      tpu.enqueue_indirect_dma source(%dma_start3A_444 : memref<1000000x64xf32, #tpu.memory_space<hbm>>) target(%dma_start3A_438 : memref<50x64xf32, #tpu.memory_space<vmem>>) offsets(%dma_start3A_441 : memref<50xi32, #tpu.memory_space<vmem>>) semaphore(%arg9 : memref<!tpu.dma_semaphore, #tpu.memory_space<semaphore_mem>>)
      %mul3A_445 = arith.constant 16 : i32
      %mul3A_446 = arith.muli %add3A_219, %mul3A_445 : i32
      %add3A_447 = arith.constant 15 : i32
      %add3A_448 = arith.addi %mul3A_446, %add3A_447 : i32
      %dma_start3A_449 = arith.constant 15 : i32
      %dma_start3A_450 = arith.constant 0 : i32
      %dma_start3A_451 = arith.constant 0 : i32
      %dma_start3A_452 = tpu.memref_slice %arg7[%dma_start3A_449, %dma_start3A_450, %dma_start3A_451] : memref<16x50x64xf32, #tpu.memory_space<vmem>> -> memref<1x50x64xf32, #tpu.memory_space<vmem>>
      %dma_start3A_453 = tpu.memref_squeeze %dma_start3A_452 : memref<1x50x64xf32, #tpu.memory_space<vmem>> -> memref<50x64xf32, #tpu.memory_space<vmem>>
      %dma_start3A_454 = arith.constant 0 : i32
      %dma_start3A_455 = tpu.memref_slice %arg5[%add3A_448, %dma_start3A_454] : memref<512x50xi32, #tpu.memory_space<vmem>> -> memref<1x50xi32, #tpu.memory_space<vmem>>
      %dma_start3A_456 = tpu.memref_squeeze %dma_start3A_455 : memref<1x50xi32, #tpu.memory_space<vmem>> -> memref<50xi32, #tpu.memory_space<vmem>>
      %dma_start3A_457 = arith.constant 0 : i32
      %dma_start3A_458 = arith.constant 0 : i32
      %dma_start3A_459 = tpu.memref_slice %arg2[%dma_start3A_457, %dma_start3A_458] : memref<1000000x64xf32, #tpu.memory_space<hbm>> -> memref<1000000x64xf32, #tpu.memory_space<hbm>>
      tpu.enqueue_indirect_dma source(%dma_start3A_459 : memref<1000000x64xf32, #tpu.memory_space<hbm>>) target(%dma_start3A_453 : memref<50x64xf32, #tpu.memory_space<vmem>>) offsets(%dma_start3A_456 : memref<50xi32, #tpu.memory_space<vmem>>) semaphore(%arg9 : memref<!tpu.dma_semaphore, #tpu.memory_space<semaphore_mem>>)
      %dma_wait3A_460 = arith.constant 0 : i32
      %dma_wait3A_461 = arith.constant 0 : i32
      %dma_wait3A_462 = arith.constant 0 : i32
      %dma_wait3A_463 = arith.constant 0 : i32
      %dma_wait3A_464 = tpu.memref_slice %arg6[%dma_wait3A_461, %dma_wait3A_462, %dma_wait3A_463] : memref<16x50x64xf32, #tpu.memory_space<vmem>> -> memref<1x50x64xf32, #tpu.memory_space<vmem>>
      %dma_wait3A_465 = tpu.memref_squeeze %dma_wait3A_464 : memref<1x50x64xf32, #tpu.memory_space<vmem>> -> memref<50x64xf32, #tpu.memory_space<vmem>>
      %dma_wait3A_466 = arith.constant 0 : i32
      %dma_wait3A_467 = tpu.memref_slice %arg5[%dma_wait3A_460, %dma_wait3A_466] : memref<512x50xi32, #tpu.memory_space<vmem>> -> memref<1x50xi32, #tpu.memory_space<vmem>>
      %dma_wait3A_468 = tpu.memref_squeeze %dma_wait3A_467 : memref<1x50xi32, #tpu.memory_space<vmem>> -> memref<50xi32, #tpu.memory_space<vmem>>
      %dma_wait3A_469 = arith.constant 0 : i32
      %dma_wait3A_470 = arith.constant 0 : i32
      %dma_wait3A_471 = tpu.memref_slice %arg2[%dma_wait3A_469, %dma_wait3A_470] : memref<1000000x64xf32, #tpu.memory_space<hbm>> -> memref<1000000x64xf32, #tpu.memory_space<hbm>>
      tpu.wait_indirect_dma semaphore(%arg8 : memref<!tpu.dma_semaphore, #tpu.memory_space<semaphore_mem>>) src(%dma_wait3A_471 : memref<1000000x64xf32, #tpu.memory_space<hbm>>) dst(%dma_wait3A_465 : memref<50x64xf32, #tpu.memory_space<vmem>>)
      %dma_wait3A_472 = arith.constant 1 : i32
      %dma_wait3A_473 = arith.constant 1 : i32
      %dma_wait3A_474 = arith.constant 0 : i32
      %dma_wait3A_475 = arith.constant 0 : i32
      %dma_wait3A_476 = tpu.memref_slice %arg6[%dma_wait3A_473, %dma_wait3A_474, %dma_wait3A_475] : memref<16x50x64xf32, #tpu.memory_space<vmem>> -> memref<1x50x64xf32, #tpu.memory_space<vmem>>
      %dma_wait3A_477 = tpu.memref_squeeze %dma_wait3A_476 : memref<1x50x64xf32, #tpu.memory_space<vmem>> -> memref<50x64xf32, #tpu.memory_space<vmem>>
      %dma_wait3A_478 = arith.constant 0 : i32
      %dma_wait3A_479 = tpu.memref_slice %arg5[%dma_wait3A_472, %dma_wait3A_478] : memref<512x50xi32, #tpu.memory_space<vmem>> -> memref<1x50xi32, #tpu.memory_space<vmem>>
      %dma_wait3A_480 = tpu.memref_squeeze %dma_wait3A_479 : memref<1x50xi32, #tpu.memory_space<vmem>> -> memref<50xi32, #tpu.memory_space<vmem>>
      %dma_wait3A_481 = arith.constant 0 : i32
      %dma_wait3A_482 = arith.constant 0 : i32
      %dma_wait3A_483 = tpu.memref_slice %arg2[%dma_wait3A_481, %dma_wait3A_482] : memref<1000000x64xf32, #tpu.memory_space<hbm>> -> memref<1000000x64xf32, #tpu.memory_space<hbm>>
      tpu.wait_indirect_dma semaphore(%arg8 : memref<!tpu.dma_semaphore, #tpu.memory_space<semaphore_mem>>) src(%dma_wait3A_483 : memref<1000000x64xf32, #tpu.memory_space<hbm>>) dst(%dma_wait3A_477 : memref<50x64xf32, #tpu.memory_space<vmem>>)
      %dma_wait3A_484 = arith.constant 2 : i32
      %dma_wait3A_485 = arith.constant 2 : i32
      %dma_wait3A_486 = arith.constant 0 : i32
      %dma_wait3A_487 = arith.constant 0 : i32
      %dma_wait3A_488 = tpu.memref_slice %arg6[%dma_wait3A_485, %dma_wait3A_486, %dma_wait3A_487] : memref<16x50x64xf32, #tpu.memory_space<vmem>> -> memref<1x50x64xf32, #tpu.memory_space<vmem>>
      %dma_wait3A_489 = tpu.memref_squeeze %dma_wait3A_488 : memref<1x50x64xf32, #tpu.memory_space<vmem>> -> memref<50x64xf32, #tpu.memory_space<vmem>>
      %dma_wait3A_490 = arith.constant 0 : i32
      %dma_wait3A_491 = tpu.memref_slice %arg5[%dma_wait3A_484, %dma_wait3A_490] : memref<512x50xi32, #tpu.memory_space<vmem>> -> memref<1x50xi32, #tpu.memory_space<vmem>>
      %dma_wait3A_492 = tpu.memref_squeeze %dma_wait3A_491 : memref<1x50xi32, #tpu.memory_space<vmem>> -> memref<50xi32, #tpu.memory_space<vmem>>
      %dma_wait3A_493 = arith.constant 0 : i32
      %dma_wait3A_494 = arith.constant 0 : i32
      %dma_wait3A_495 = tpu.memref_slice %arg2[%dma_wait3A_493, %dma_wait3A_494] : memref<1000000x64xf32, #tpu.memory_space<hbm>> -> memref<1000000x64xf32, #tpu.memory_space<hbm>>
      tpu.wait_indirect_dma semaphore(%arg8 : memref<!tpu.dma_semaphore, #tpu.memory_space<semaphore_mem>>) src(%dma_wait3A_495 : memref<1000000x64xf32, #tpu.memory_space<hbm>>) dst(%dma_wait3A_489 : memref<50x64xf32, #tpu.memory_space<vmem>>)
      %dma_wait3A_496 = arith.constant 3 : i32
      %dma_wait3A_497 = arith.constant 3 : i32
      %dma_wait3A_498 = arith.constant 0 : i32
      %dma_wait3A_499 = arith.constant 0 : i32
      %dma_wait3A_500 = tpu.memref_slice %arg6[%dma_wait3A_497, %dma_wait3A_498, %dma_wait3A_499] : memref<16x50x64xf32, #tpu.memory_space<vmem>> -> memref<1x50x64xf32, #tpu.memory_space<vmem>>
      %dma_wait3A_501 = tpu.memref_squeeze %dma_wait3A_500 : memref<1x50x64xf32, #tpu.memory_space<vmem>> -> memref<50x64xf32, #tpu.memory_space<vmem>>
      %dma_wait3A_502 = arith.constant 0 : i32
      %dma_wait3A_503 = tpu.memref_slice %arg5[%dma_wait3A_496, %dma_wait3A_502] : memref<512x50xi32, #tpu.memory_space<vmem>> -> memref<1x50xi32, #tpu.memory_space<vmem>>
      %dma_wait3A_504 = tpu.memref_squeeze %dma_wait3A_503 : memref<1x50xi32, #tpu.memory_space<vmem>> -> memref<50xi32, #tpu.memory_space<vmem>>
      %dma_wait3A_505 = arith.constant 0 : i32
      %dma_wait3A_506 = arith.constant 0 : i32
      %dma_wait3A_507 = tpu.memref_slice %arg2[%dma_wait3A_505, %dma_wait3A_506] : memref<1000000x64xf32, #tpu.memory_space<hbm>> -> memref<1000000x64xf32, #tpu.memory_space<hbm>>
      tpu.wait_indirect_dma semaphore(%arg8 : memref<!tpu.dma_semaphore, #tpu.memory_space<semaphore_mem>>) src(%dma_wait3A_507 : memref<1000000x64xf32, #tpu.memory_space<hbm>>) dst(%dma_wait3A_501 : memref<50x64xf32, #tpu.memory_space<vmem>>)
      %dma_wait3A_508 = arith.constant 4 : i32
      %dma_wait3A_509 = arith.constant 4 : i32
      %dma_wait3A_510 = arith.constant 0 : i32
      %dma_wait3A_511 = arith.constant 0 : i32
      %dma_wait3A_512 = tpu.memref_slice %arg6[%dma_wait3A_509, %dma_wait3A_510, %dma_wait3A_511] : memref<16x50x64xf32, #tpu.memory_space<vmem>> -> memref<1x50x64xf32, #tpu.memory_space<vmem>>
      %dma_wait3A_513 = tpu.memref_squeeze %dma_wait3A_512 : memref<1x50x64xf32, #tpu.memory_space<vmem>> -> memref<50x64xf32, #tpu.memory_space<vmem>>
      %dma_wait3A_514 = arith.constant 0 : i32
      %dma_wait3A_515 = tpu.memref_slice %arg5[%dma_wait3A_508, %dma_wait3A_514] : memref<512x50xi32, #tpu.memory_space<vmem>> -> memref<1x50xi32, #tpu.memory_space<vmem>>
      %dma_wait3A_516 = tpu.memref_squeeze %dma_wait3A_515 : memref<1x50xi32, #tpu.memory_space<vmem>> -> memref<50xi32, #tpu.memory_space<vmem>>
      %dma_wait3A_517 = arith.constant 0 : i32
      %dma_wait3A_518 = arith.constant 0 : i32
      %dma_wait3A_519 = tpu.memref_slice %arg2[%dma_wait3A_517, %dma_wait3A_518] : memref<1000000x64xf32, #tpu.memory_space<hbm>> -> memref<1000000x64xf32, #tpu.memory_space<hbm>>
      tpu.wait_indirect_dma semaphore(%arg8 : memref<!tpu.dma_semaphore, #tpu.memory_space<semaphore_mem>>) src(%dma_wait3A_519 : memref<1000000x64xf32, #tpu.memory_space<hbm>>) dst(%dma_wait3A_513 : memref<50x64xf32, #tpu.memory_space<vmem>>)
      %dma_wait3A_520 = arith.constant 5 : i32
      %dma_wait3A_521 = arith.constant 5 : i32
      %dma_wait3A_522 = arith.constant 0 : i32
      %dma_wait3A_523 = arith.constant 0 : i32
      %dma_wait3A_524 = tpu.memref_slice %arg6[%dma_wait3A_521, %dma_wait3A_522, %dma_wait3A_523] : memref<16x50x64xf32, #tpu.memory_space<vmem>> -> memref<1x50x64xf32, #tpu.memory_space<vmem>>
      %dma_wait3A_525 = tpu.memref_squeeze %dma_wait3A_524 : memref<1x50x64xf32, #tpu.memory_space<vmem>> -> memref<50x64xf32, #tpu.memory_space<vmem>>
      %dma_wait3A_526 = arith.constant 0 : i32
      %dma_wait3A_527 = tpu.memref_slice %arg5[%dma_wait3A_520, %dma_wait3A_526] : memref<512x50xi32, #tpu.memory_space<vmem>> -> memref<1x50xi32, #tpu.memory_space<vmem>>
      %dma_wait3A_528 = tpu.memref_squeeze %dma_wait3A_527 : memref<1x50xi32, #tpu.memory_space<vmem>> -> memref<50xi32, #tpu.memory_space<vmem>>
      %dma_wait3A_529 = arith.constant 0 : i32
      %dma_wait3A_530 = arith.constant 0 : i32
      %dma_wait3A_531 = tpu.memref_slice %arg2[%dma_wait3A_529, %dma_wait3A_530] : memref<1000000x64xf32, #tpu.memory_space<hbm>> -> memref<1000000x64xf32, #tpu.memory_space<hbm>>
      tpu.wait_indirect_dma semaphore(%arg8 : memref<!tpu.dma_semaphore, #tpu.memory_space<semaphore_mem>>) src(%dma_wait3A_531 : memref<1000000x64xf32, #tpu.memory_space<hbm>>) dst(%dma_wait3A_525 : memref<50x64xf32, #tpu.memory_space<vmem>>)
      %dma_wait3A_532 = arith.constant 6 : i32
      %dma_wait3A_533 = arith.constant 6 : i32
      %dma_wait3A_534 = arith.constant 0 : i32
      %dma_wait3A_535 = arith.constant 0 : i32
      %dma_wait3A_536 = tpu.memref_slice %arg6[%dma_wait3A_533, %dma_wait3A_534, %dma_wait3A_535] : memref<16x50x64xf32, #tpu.memory_space<vmem>> -> memref<1x50x64xf32, #tpu.memory_space<vmem>>
      %dma_wait3A_537 = tpu.memref_squeeze %dma_wait3A_536 : memref<1x50x64xf32, #tpu.memory_space<vmem>> -> memref<50x64xf32, #tpu.memory_space<vmem>>
      %dma_wait3A_538 = arith.constant 0 : i32
      %dma_wait3A_539 = tpu.memref_slice %arg5[%dma_wait3A_532, %dma_wait3A_538] : memref<512x50xi32, #tpu.memory_space<vmem>> -> memref<1x50xi32, #tpu.memory_space<vmem>>
      %dma_wait3A_540 = tpu.memref_squeeze %dma_wait3A_539 : memref<1x50xi32, #tpu.memory_space<vmem>> -> memref<50xi32, #tpu.memory_space<vmem>>
      %dma_wait3A_541 = arith.constant 0 : i32
      %dma_wait3A_542 = arith.constant 0 : i32
      %dma_wait3A_543 = tpu.memref_slice %arg2[%dma_wait3A_541, %dma_wait3A_542] : memref<1000000x64xf32, #tpu.memory_space<hbm>> -> memref<1000000x64xf32, #tpu.memory_space<hbm>>
      tpu.wait_indirect_dma semaphore(%arg8 : memref<!tpu.dma_semaphore, #tpu.memory_space<semaphore_mem>>) src(%dma_wait3A_543 : memref<1000000x64xf32, #tpu.memory_space<hbm>>) dst(%dma_wait3A_537 : memref<50x64xf32, #tpu.memory_space<vmem>>)
      %dma_wait3A_544 = arith.constant 7 : i32
      %dma_wait3A_545 = arith.constant 7 : i32
      %dma_wait3A_546 = arith.constant 0 : i32
      %dma_wait3A_547 = arith.constant 0 : i32
      %dma_wait3A_548 = tpu.memref_slice %arg6[%dma_wait3A_545, %dma_wait3A_546, %dma_wait3A_547] : memref<16x50x64xf32, #tpu.memory_space<vmem>> -> memref<1x50x64xf32, #tpu.memory_space<vmem>>
      %dma_wait3A_549 = tpu.memref_squeeze %dma_wait3A_548 : memref<1x50x64xf32, #tpu.memory_space<vmem>> -> memref<50x64xf32, #tpu.memory_space<vmem>>
      %dma_wait3A_550 = arith.constant 0 : i32
      %dma_wait3A_551 = tpu.memref_slice %arg5[%dma_wait3A_544, %dma_wait3A_550] : memref<512x50xi32, #tpu.memory_space<vmem>> -> memref<1x50xi32, #tpu.memory_space<vmem>>
      %dma_wait3A_552 = tpu.memref_squeeze %dma_wait3A_551 : memref<1x50xi32, #tpu.memory_space<vmem>> -> memref<50xi32, #tpu.memory_space<vmem>>
      %dma_wait3A_553 = arith.constant 0 : i32
      %dma_wait3A_554 = arith.constant 0 : i32
      %dma_wait3A_555 = tpu.memref_slice %arg2[%dma_wait3A_553, %dma_wait3A_554] : memref<1000000x64xf32, #tpu.memory_space<hbm>> -> memref<1000000x64xf32, #tpu.memory_space<hbm>>
      tpu.wait_indirect_dma semaphore(%arg8 : memref<!tpu.dma_semaphore, #tpu.memory_space<semaphore_mem>>) src(%dma_wait3A_555 : memref<1000000x64xf32, #tpu.memory_space<hbm>>) dst(%dma_wait3A_549 : memref<50x64xf32, #tpu.memory_space<vmem>>)
      %dma_wait3A_556 = arith.constant 8 : i32
      %dma_wait3A_557 = arith.constant 8 : i32
      %dma_wait3A_558 = arith.constant 0 : i32
      %dma_wait3A_559 = arith.constant 0 : i32
      %dma_wait3A_560 = tpu.memref_slice %arg6[%dma_wait3A_557, %dma_wait3A_558, %dma_wait3A_559] : memref<16x50x64xf32, #tpu.memory_space<vmem>> -> memref<1x50x64xf32, #tpu.memory_space<vmem>>
      %dma_wait3A_561 = tpu.memref_squeeze %dma_wait3A_560 : memref<1x50x64xf32, #tpu.memory_space<vmem>> -> memref<50x64xf32, #tpu.memory_space<vmem>>
      %dma_wait3A_562 = arith.constant 0 : i32
      %dma_wait3A_563 = tpu.memref_slice %arg5[%dma_wait3A_556, %dma_wait3A_562] : memref<512x50xi32, #tpu.memory_space<vmem>> -> memref<1x50xi32, #tpu.memory_space<vmem>>
      %dma_wait3A_564 = tpu.memref_squeeze %dma_wait3A_563 : memref<1x50xi32, #tpu.memory_space<vmem>> -> memref<50xi32, #tpu.memory_space<vmem>>
      %dma_wait3A_565 = arith.constant 0 : i32
      %dma_wait3A_566 = arith.constant 0 : i32
      %dma_wait3A_567 = tpu.memref_slice %arg2[%dma_wait3A_565, %dma_wait3A_566] : memref<1000000x64xf32, #tpu.memory_space<hbm>> -> memref<1000000x64xf32, #tpu.memory_space<hbm>>
      tpu.wait_indirect_dma semaphore(%arg8 : memref<!tpu.dma_semaphore, #tpu.memory_space<semaphore_mem>>) src(%dma_wait3A_567 : memref<1000000x64xf32, #tpu.memory_space<hbm>>) dst(%dma_wait3A_561 : memref<50x64xf32, #tpu.memory_space<vmem>>)
      %dma_wait3A_568 = arith.constant 9 : i32
      %dma_wait3A_569 = arith.constant 9 : i32
      %dma_wait3A_570 = arith.constant 0 : i32
      %dma_wait3A_571 = arith.constant 0 : i32
      %dma_wait3A_572 = tpu.memref_slice %arg6[%dma_wait3A_569, %dma_wait3A_570, %dma_wait3A_571] : memref<16x50x64xf32, #tpu.memory_space<vmem>> -> memref<1x50x64xf32, #tpu.memory_space<vmem>>
      %dma_wait3A_573 = tpu.memref_squeeze %dma_wait3A_572 : memref<1x50x64xf32, #tpu.memory_space<vmem>> -> memref<50x64xf32, #tpu.memory_space<vmem>>
      %dma_wait3A_574 = arith.constant 0 : i32
      %dma_wait3A_575 = tpu.memref_slice %arg5[%dma_wait3A_568, %dma_wait3A_574] : memref<512x50xi32, #tpu.memory_space<vmem>> -> memref<1x50xi32, #tpu.memory_space<vmem>>
      %dma_wait3A_576 = tpu.memref_squeeze %dma_wait3A_575 : memref<1x50xi32, #tpu.memory_space<vmem>> -> memref<50xi32, #tpu.memory_space<vmem>>
      %dma_wait3A_577 = arith.constant 0 : i32
      %dma_wait3A_578 = arith.constant 0 : i32
      %dma_wait3A_579 = tpu.memref_slice %arg2[%dma_wait3A_577, %dma_wait3A_578] : memref<1000000x64xf32, #tpu.memory_space<hbm>> -> memref<1000000x64xf32, #tpu.memory_space<hbm>>
      tpu.wait_indirect_dma semaphore(%arg8 : memref<!tpu.dma_semaphore, #tpu.memory_space<semaphore_mem>>) src(%dma_wait3A_579 : memref<1000000x64xf32, #tpu.memory_space<hbm>>) dst(%dma_wait3A_573 : memref<50x64xf32, #tpu.memory_space<vmem>>)
      %dma_wait3A_580 = arith.constant 10 : i32
      %dma_wait3A_581 = arith.constant 10 : i32
      %dma_wait3A_582 = arith.constant 0 : i32
      %dma_wait3A_583 = arith.constant 0 : i32
      %dma_wait3A_584 = tpu.memref_slice %arg6[%dma_wait3A_581, %dma_wait3A_582, %dma_wait3A_583] : memref<16x50x64xf32, #tpu.memory_space<vmem>> -> memref<1x50x64xf32, #tpu.memory_space<vmem>>
      %dma_wait3A_585 = tpu.memref_squeeze %dma_wait3A_584 : memref<1x50x64xf32, #tpu.memory_space<vmem>> -> memref<50x64xf32, #tpu.memory_space<vmem>>
      %dma_wait3A_586 = arith.constant 0 : i32
      %dma_wait3A_587 = tpu.memref_slice %arg5[%dma_wait3A_580, %dma_wait3A_586] : memref<512x50xi32, #tpu.memory_space<vmem>> -> memref<1x50xi32, #tpu.memory_space<vmem>>
      %dma_wait3A_588 = tpu.memref_squeeze %dma_wait3A_587 : memref<1x50xi32, #tpu.memory_space<vmem>> -> memref<50xi32, #tpu.memory_space<vmem>>
      %dma_wait3A_589 = arith.constant 0 : i32
      %dma_wait3A_590 = arith.constant 0 : i32
      %dma_wait3A_591 = tpu.memref_slice %arg2[%dma_wait3A_589, %dma_wait3A_590] : memref<1000000x64xf32, #tpu.memory_space<hbm>> -> memref<1000000x64xf32, #tpu.memory_space<hbm>>
      tpu.wait_indirect_dma semaphore(%arg8 : memref<!tpu.dma_semaphore, #tpu.memory_space<semaphore_mem>>) src(%dma_wait3A_591 : memref<1000000x64xf32, #tpu.memory_space<hbm>>) dst(%dma_wait3A_585 : memref<50x64xf32, #tpu.memory_space<vmem>>)
      %dma_wait3A_592 = arith.constant 11 : i32
      %dma_wait3A_593 = arith.constant 11 : i32
      %dma_wait3A_594 = arith.constant 0 : i32
      %dma_wait3A_595 = arith.constant 0 : i32
      %dma_wait3A_596 = tpu.memref_slice %arg6[%dma_wait3A_593, %dma_wait3A_594, %dma_wait3A_595] : memref<16x50x64xf32, #tpu.memory_space<vmem>> -> memref<1x50x64xf32, #tpu.memory_space<vmem>>
      %dma_wait3A_597 = tpu.memref_squeeze %dma_wait3A_596 : memref<1x50x64xf32, #tpu.memory_space<vmem>> -> memref<50x64xf32, #tpu.memory_space<vmem>>
      %dma_wait3A_598 = arith.constant 0 : i32
      %dma_wait3A_599 = tpu.memref_slice %arg5[%dma_wait3A_592, %dma_wait3A_598] : memref<512x50xi32, #tpu.memory_space<vmem>> -> memref<1x50xi32, #tpu.memory_space<vmem>>
      %dma_wait3A_600 = tpu.memref_squeeze %dma_wait3A_599 : memref<1x50xi32, #tpu.memory_space<vmem>> -> memref<50xi32, #tpu.memory_space<vmem>>
      %dma_wait3A_601 = arith.constant 0 : i32
      %dma_wait3A_602 = arith.constant 0 : i32
      %dma_wait3A_603 = tpu.memref_slice %arg2[%dma_wait3A_601, %dma_wait3A_602] : memref<1000000x64xf32, #tpu.memory_space<hbm>> -> memref<1000000x64xf32, #tpu.memory_space<hbm>>
      tpu.wait_indirect_dma semaphore(%arg8 : memref<!tpu.dma_semaphore, #tpu.memory_space<semaphore_mem>>) src(%dma_wait3A_603 : memref<1000000x64xf32, #tpu.memory_space<hbm>>) dst(%dma_wait3A_597 : memref<50x64xf32, #tpu.memory_space<vmem>>)
      %dma_wait3A_604 = arith.constant 12 : i32
      %dma_wait3A_605 = arith.constant 12 : i32
      %dma_wait3A_606 = arith.constant 0 : i32
      %dma_wait3A_607 = arith.constant 0 : i32
      %dma_wait3A_608 = tpu.memref_slice %arg6[%dma_wait3A_605, %dma_wait3A_606, %dma_wait3A_607] : memref<16x50x64xf32, #tpu.memory_space<vmem>> -> memref<1x50x64xf32, #tpu.memory_space<vmem>>
      %dma_wait3A_609 = tpu.memref_squeeze %dma_wait3A_608 : memref<1x50x64xf32, #tpu.memory_space<vmem>> -> memref<50x64xf32, #tpu.memory_space<vmem>>
      %dma_wait3A_610 = arith.constant 0 : i32
      %dma_wait3A_611 = tpu.memref_slice %arg5[%dma_wait3A_604, %dma_wait3A_610] : memref<512x50xi32, #tpu.memory_space<vmem>> -> memref<1x50xi32, #tpu.memory_space<vmem>>
      %dma_wait3A_612 = tpu.memref_squeeze %dma_wait3A_611 : memref<1x50xi32, #tpu.memory_space<vmem>> -> memref<50xi32, #tpu.memory_space<vmem>>
      %dma_wait3A_613 = arith.constant 0 : i32
      %dma_wait3A_614 = arith.constant 0 : i32
      %dma_wait3A_615 = tpu.memref_slice %arg2[%dma_wait3A_613, %dma_wait3A_614] : memref<1000000x64xf32, #tpu.memory_space<hbm>> -> memref<1000000x64xf32, #tpu.memory_space<hbm>>
      tpu.wait_indirect_dma semaphore(%arg8 : memref<!tpu.dma_semaphore, #tpu.memory_space<semaphore_mem>>) src(%dma_wait3A_615 : memref<1000000x64xf32, #tpu.memory_space<hbm>>) dst(%dma_wait3A_609 : memref<50x64xf32, #tpu.memory_space<vmem>>)
      %dma_wait3A_616 = arith.constant 13 : i32
      %dma_wait3A_617 = arith.constant 13 : i32
      %dma_wait3A_618 = arith.constant 0 : i32
      %dma_wait3A_619 = arith.constant 0 : i32
      %dma_wait3A_620 = tpu.memref_slice %arg6[%dma_wait3A_617, %dma_wait3A_618, %dma_wait3A_619] : memref<16x50x64xf32, #tpu.memory_space<vmem>> -> memref<1x50x64xf32, #tpu.memory_space<vmem>>
      %dma_wait3A_621 = tpu.memref_squeeze %dma_wait3A_620 : memref<1x50x64xf32, #tpu.memory_space<vmem>> -> memref<50x64xf32, #tpu.memory_space<vmem>>
      %dma_wait3A_622 = arith.constant 0 : i32
      %dma_wait3A_623 = tpu.memref_slice %arg5[%dma_wait3A_616, %dma_wait3A_622] : memref<512x50xi32, #tpu.memory_space<vmem>> -> memref<1x50xi32, #tpu.memory_space<vmem>>
      %dma_wait3A_624 = tpu.memref_squeeze %dma_wait3A_623 : memref<1x50xi32, #tpu.memory_space<vmem>> -> memref<50xi32, #tpu.memory_space<vmem>>
      %dma_wait3A_625 = arith.constant 0 : i32
      %dma_wait3A_626 = arith.constant 0 : i32
      %dma_wait3A_627 = tpu.memref_slice %arg2[%dma_wait3A_625, %dma_wait3A_626] : memref<1000000x64xf32, #tpu.memory_space<hbm>> -> memref<1000000x64xf32, #tpu.memory_space<hbm>>
      tpu.wait_indirect_dma semaphore(%arg8 : memref<!tpu.dma_semaphore, #tpu.memory_space<semaphore_mem>>) src(%dma_wait3A_627 : memref<1000000x64xf32, #tpu.memory_space<hbm>>) dst(%dma_wait3A_621 : memref<50x64xf32, #tpu.memory_space<vmem>>)
      %dma_wait3A_628 = arith.constant 14 : i32
      %dma_wait3A_629 = arith.constant 14 : i32
      %dma_wait3A_630 = arith.constant 0 : i32
      %dma_wait3A_631 = arith.constant 0 : i32
      %dma_wait3A_632 = tpu.memref_slice %arg6[%dma_wait3A_629, %dma_wait3A_630, %dma_wait3A_631] : memref<16x50x64xf32, #tpu.memory_space<vmem>> -> memref<1x50x64xf32, #tpu.memory_space<vmem>>
      %dma_wait3A_633 = tpu.memref_squeeze %dma_wait3A_632 : memref<1x50x64xf32, #tpu.memory_space<vmem>> -> memref<50x64xf32, #tpu.memory_space<vmem>>
      %dma_wait3A_634 = arith.constant 0 : i32
      %dma_wait3A_635 = tpu.memref_slice %arg5[%dma_wait3A_628, %dma_wait3A_634] : memref<512x50xi32, #tpu.memory_space<vmem>> -> memref<1x50xi32, #tpu.memory_space<vmem>>
      %dma_wait3A_636 = tpu.memref_squeeze %dma_wait3A_635 : memref<1x50xi32, #tpu.memory_space<vmem>> -> memref<50xi32, #tpu.memory_space<vmem>>
      %dma_wait3A_637 = arith.constant 0 : i32
      %dma_wait3A_638 = arith.constant 0 : i32
      %dma_wait3A_639 = tpu.memref_slice %arg2[%dma_wait3A_637, %dma_wait3A_638] : memref<1000000x64xf32, #tpu.memory_space<hbm>> -> memref<1000000x64xf32, #tpu.memory_space<hbm>>
      tpu.wait_indirect_dma semaphore(%arg8 : memref<!tpu.dma_semaphore, #tpu.memory_space<semaphore_mem>>) src(%dma_wait3A_639 : memref<1000000x64xf32, #tpu.memory_space<hbm>>) dst(%dma_wait3A_633 : memref<50x64xf32, #tpu.memory_space<vmem>>)
      %dma_wait3A_640 = arith.constant 15 : i32
      %dma_wait3A_641 = arith.constant 15 : i32
      %dma_wait3A_642 = arith.constant 0 : i32
      %dma_wait3A_643 = arith.constant 0 : i32
      %dma_wait3A_644 = tpu.memref_slice %arg6[%dma_wait3A_641, %dma_wait3A_642, %dma_wait3A_643] : memref<16x50x64xf32, #tpu.memory_space<vmem>> -> memref<1x50x64xf32, #tpu.memory_space<vmem>>
      %dma_wait3A_645 = tpu.memref_squeeze %dma_wait3A_644 : memref<1x50x64xf32, #tpu.memory_space<vmem>> -> memref<50x64xf32, #tpu.memory_space<vmem>>
      %dma_wait3A_646 = arith.constant 0 : i32
      %dma_wait3A_647 = tpu.memref_slice %arg5[%dma_wait3A_640, %dma_wait3A_646] : memref<512x50xi32, #tpu.memory_space<vmem>> -> memref<1x50xi32, #tpu.memory_space<vmem>>
      %dma_wait3A_648 = tpu.memref_squeeze %dma_wait3A_647 : memref<1x50xi32, #tpu.memory_space<vmem>> -> memref<50xi32, #tpu.memory_space<vmem>>
      %dma_wait3A_649 = arith.constant 0 : i32
      %dma_wait3A_650 = arith.constant 0 : i32
      %dma_wait3A_651 = tpu.memref_slice %arg2[%dma_wait3A_649, %dma_wait3A_650] : memref<1000000x64xf32, #tpu.memory_space<hbm>> -> memref<1000000x64xf32, #tpu.memory_space<hbm>>
      tpu.wait_indirect_dma semaphore(%arg8 : memref<!tpu.dma_semaphore, #tpu.memory_space<semaphore_mem>>) src(%dma_wait3A_651 : memref<1000000x64xf32, #tpu.memory_space<hbm>>) dst(%dma_wait3A_645 : memref<50x64xf32, #tpu.memory_space<vmem>>)
      %mul3A_652 = arith.constant 16 : i32
      %mul3A_653 = arith.muli %mul3A_215, %mul3A_652 : i32
      %add3A_654 = arith.addi %mul3A_2, %mul3A_653 : i32
      %dma_start3A_655 = arith.constant 0 : i32
      %dma_start3A_656 = arith.constant 0 : i32
      %dma_start3A_657 = tpu.memref_slice %arg4[%add3A_654, %dma_start3A_655, %dma_start3A_656] : memref<16384x50x64xf32, #tpu.memory_space<hbm>> -> memref<16x50x64xf32, #tpu.memory_space<hbm>>
      %dma_start3A_658 = arith.constant 0 : i32
      %dma_start3A_659 = arith.constant 0 : i32
      %dma_start3A_660 = tpu.memref_slice %arg4[%add3A_654, %dma_start3A_658, %dma_start3A_659] : memref<16384x50x64xf32, #tpu.memory_space<hbm>> -> memref<16x50x64xf32, #tpu.memory_space<hbm>>
      tpu.enqueue_dma source(%arg6 : memref<16x50x64xf32, #tpu.memory_space<vmem>>) target(%dma_start3A_660 : memref<16x50x64xf32, #tpu.memory_space<hbm>>) target_semaphore(%arg10 : memref<!tpu.dma_semaphore, #tpu.memory_space<semaphore_mem>>)
      %lt3A = arith.constant 15 : i32
      %lt3A_661 = arith.cmpi slt, %add3A_213, %lt3A : i32
      %convert_element_type3A_662 = arith.extui %lt3A_661 : i1 to i32
      %cond3A_663 = arith.constant 0 : i32
      %cond3A_664 = arith.cmpi ne, %convert_element_type3A_662, %cond3A_663 : i32
      scf.if %cond3A_664 {
        %dma_wait3A_868 = arith.constant 0 : i32
        %dma_wait3A_869 = arith.constant 0 : i32
        %dma_wait3A_870 = tpu.memref_slice %arg4[%mul3A_2, %dma_wait3A_868, %dma_wait3A_869] : memref<16384x50x64xf32, #tpu.memory_space<hbm>> -> memref<16x50x64xf32, #tpu.memory_space<hbm>>
        %dma_wait3A_871 = arith.constant 0 : i32
        %dma_wait3A_872 = arith.constant 0 : i32
        %dma_wait3A_873 = tpu.memref_slice %arg4[%mul3A_2, %dma_wait3A_871, %dma_wait3A_872] : memref<16384x50x64xf32, #tpu.memory_space<hbm>> -> memref<16x50x64xf32, #tpu.memory_space<hbm>>
        tpu.wait_dma2 semaphore(%arg10 : memref<!tpu.dma_semaphore, #tpu.memory_space<semaphore_mem>>) src(%arg6 : memref<16x50x64xf32, #tpu.memory_space<vmem>>) dst(%dma_wait3A_873 : memref<16x50x64xf32, #tpu.memory_space<hbm>>)
        %add3A_874 = arith.constant 2 : i32
        %add3A_875 = arith.addi %mul3A_215, %add3A_874 : i32
        %mul3A_876 = arith.constant 16 : i32
        %mul3A_877 = arith.muli %add3A_875, %mul3A_876 : i32
        %add3A_878 = arith.constant 0 : i32
        %add3A_879 = arith.addi %mul3A_877, %add3A_878 : i32
        %dma_start3A_880 = arith.constant 0 : i32
        %dma_start3A_881 = arith.constant 0 : i32
        %dma_start3A_882 = arith.constant 0 : i32
        %dma_start3A_883 = tpu.memref_slice %arg6[%dma_start3A_880, %dma_start3A_881, %dma_start3A_882] : memref<16x50x64xf32, #tpu.memory_space<vmem>> -> memref<1x50x64xf32, #tpu.memory_space<vmem>>
        %dma_start3A_884 = tpu.memref_squeeze %dma_start3A_883 : memref<1x50x64xf32, #tpu.memory_space<vmem>> -> memref<50x64xf32, #tpu.memory_space<vmem>>
        %dma_start3A_885 = arith.constant 0 : i32
        %dma_start3A_886 = tpu.memref_slice %arg5[%add3A_879, %dma_start3A_885] : memref<512x50xi32, #tpu.memory_space<vmem>> -> memref<1x50xi32, #tpu.memory_space<vmem>>
        %dma_start3A_887 = tpu.memref_squeeze %dma_start3A_886 : memref<1x50xi32, #tpu.memory_space<vmem>> -> memref<50xi32, #tpu.memory_space<vmem>>
        %dma_start3A_888 = arith.constant 0 : i32
        %dma_start3A_889 = arith.constant 0 : i32
        %dma_start3A_890 = tpu.memref_slice %arg2[%dma_start3A_888, %dma_start3A_889] : memref<1000000x64xf32, #tpu.memory_space<hbm>> -> memref<1000000x64xf32, #tpu.memory_space<hbm>>
        tpu.enqueue_indirect_dma source(%dma_start3A_890 : memref<1000000x64xf32, #tpu.memory_space<hbm>>) target(%dma_start3A_884 : memref<50x64xf32, #tpu.memory_space<vmem>>) offsets(%dma_start3A_887 : memref<50xi32, #tpu.memory_space<vmem>>) semaphore(%arg8 : memref<!tpu.dma_semaphore, #tpu.memory_space<semaphore_mem>>)
        %mul3A_891 = arith.constant 16 : i32
        %mul3A_892 = arith.muli %add3A_875, %mul3A_891 : i32
        %add3A_893 = arith.constant 1 : i32
        %add3A_894 = arith.addi %mul3A_892, %add3A_893 : i32
        %dma_start3A_895 = arith.constant 1 : i32
        %dma_start3A_896 = arith.constant 0 : i32
        %dma_start3A_897 = arith.constant 0 : i32
        %dma_start3A_898 = tpu.memref_slice %arg6[%dma_start3A_895, %dma_start3A_896, %dma_start3A_897] : memref<16x50x64xf32, #tpu.memory_space<vmem>> -> memref<1x50x64xf32, #tpu.memory_space<vmem>>
        %dma_start3A_899 = tpu.memref_squeeze %dma_start3A_898 : memref<1x50x64xf32, #tpu.memory_space<vmem>> -> memref<50x64xf32, #tpu.memory_space<vmem>>
        %dma_start3A_900 = arith.constant 0 : i32
        %dma_start3A_901 = tpu.memref_slice %arg5[%add3A_894, %dma_start3A_900] : memref<512x50xi32, #tpu.memory_space<vmem>> -> memref<1x50xi32, #tpu.memory_space<vmem>>
        %dma_start3A_902 = tpu.memref_squeeze %dma_start3A_901 : memref<1x50xi32, #tpu.memory_space<vmem>> -> memref<50xi32, #tpu.memory_space<vmem>>
        %dma_start3A_903 = arith.constant 0 : i32
        %dma_start3A_904 = arith.constant 0 : i32
        %dma_start3A_905 = tpu.memref_slice %arg2[%dma_start3A_903, %dma_start3A_904] : memref<1000000x64xf32, #tpu.memory_space<hbm>> -> memref<1000000x64xf32, #tpu.memory_space<hbm>>
        tpu.enqueue_indirect_dma source(%dma_start3A_905 : memref<1000000x64xf32, #tpu.memory_space<hbm>>) target(%dma_start3A_899 : memref<50x64xf32, #tpu.memory_space<vmem>>) offsets(%dma_start3A_902 : memref<50xi32, #tpu.memory_space<vmem>>) semaphore(%arg8 : memref<!tpu.dma_semaphore, #tpu.memory_space<semaphore_mem>>)
        %mul3A_906 = arith.constant 16 : i32
        %mul3A_907 = arith.muli %add3A_875, %mul3A_906 : i32
        %add3A_908 = arith.constant 2 : i32
        %add3A_909 = arith.addi %mul3A_907, %add3A_908 : i32
        %dma_start3A_910 = arith.constant 2 : i32
        %dma_start3A_911 = arith.constant 0 : i32
        %dma_start3A_912 = arith.constant 0 : i32
        %dma_start3A_913 = tpu.memref_slice %arg6[%dma_start3A_910, %dma_start3A_911, %dma_start3A_912] : memref<16x50x64xf32, #tpu.memory_space<vmem>> -> memref<1x50x64xf32, #tpu.memory_space<vmem>>
        %dma_start3A_914 = tpu.memref_squeeze %dma_start3A_913 : memref<1x50x64xf32, #tpu.memory_space<vmem>> -> memref<50x64xf32, #tpu.memory_space<vmem>>
        %dma_start3A_915 = arith.constant 0 : i32
        %dma_start3A_916 = tpu.memref_slice %arg5[%add3A_909, %dma_start3A_915] : memref<512x50xi32, #tpu.memory_space<vmem>> -> memref<1x50xi32, #tpu.memory_space<vmem>>
        %dma_start3A_917 = tpu.memref_squeeze %dma_start3A_916 : memref<1x50xi32, #tpu.memory_space<vmem>> -> memref<50xi32, #tpu.memory_space<vmem>>
        %dma_start3A_918 = arith.constant 0 : i32
        %dma_start3A_919 = arith.constant 0 : i32
        %dma_start3A_920 = tpu.memref_slice %arg2[%dma_start3A_918, %dma_start3A_919] : memref<1000000x64xf32, #tpu.memory_space<hbm>> -> memref<1000000x64xf32, #tpu.memory_space<hbm>>
        tpu.enqueue_indirect_dma source(%dma_start3A_920 : memref<1000000x64xf32, #tpu.memory_space<hbm>>) target(%dma_start3A_914 : memref<50x64xf32, #tpu.memory_space<vmem>>) offsets(%dma_start3A_917 : memref<50xi32, #tpu.memory_space<vmem>>) semaphore(%arg8 : memref<!tpu.dma_semaphore, #tpu.memory_space<semaphore_mem>>)
        %mul3A_921 = arith.constant 16 : i32
        %mul3A_922 = arith.muli %add3A_875, %mul3A_921 : i32
        %add3A_923 = arith.constant 3 : i32
        %add3A_924 = arith.addi %mul3A_922, %add3A_923 : i32
        %dma_start3A_925 = arith.constant 3 : i32
        %dma_start3A_926 = arith.constant 0 : i32
        %dma_start3A_927 = arith.constant 0 : i32
        %dma_start3A_928 = tpu.memref_slice %arg6[%dma_start3A_925, %dma_start3A_926, %dma_start3A_927] : memref<16x50x64xf32, #tpu.memory_space<vmem>> -> memref<1x50x64xf32, #tpu.memory_space<vmem>>
        %dma_start3A_929 = tpu.memref_squeeze %dma_start3A_928 : memref<1x50x64xf32, #tpu.memory_space<vmem>> -> memref<50x64xf32, #tpu.memory_space<vmem>>
        %dma_start3A_930 = arith.constant 0 : i32
        %dma_start3A_931 = tpu.memref_slice %arg5[%add3A_924, %dma_start3A_930] : memref<512x50xi32, #tpu.memory_space<vmem>> -> memref<1x50xi32, #tpu.memory_space<vmem>>
        %dma_start3A_932 = tpu.memref_squeeze %dma_start3A_931 : memref<1x50xi32, #tpu.memory_space<vmem>> -> memref<50xi32, #tpu.memory_space<vmem>>
        %dma_start3A_933 = arith.constant 0 : i32
        %dma_start3A_934 = arith.constant 0 : i32
        %dma_start3A_935 = tpu.memref_slice %arg2[%dma_start3A_933, %dma_start3A_934] : memref<1000000x64xf32, #tpu.memory_space<hbm>> -> memref<1000000x64xf32, #tpu.memory_space<hbm>>
        tpu.enqueue_indirect_dma source(%dma_start3A_935 : memref<1000000x64xf32, #tpu.memory_space<hbm>>) target(%dma_start3A_929 : memref<50x64xf32, #tpu.memory_space<vmem>>) offsets(%dma_start3A_932 : memref<50xi32, #tpu.memory_space<vmem>>) semaphore(%arg8 : memref<!tpu.dma_semaphore, #tpu.memory_space<semaphore_mem>>)
        %mul3A_936 = arith.constant 16 : i32
        %mul3A_937 = arith.muli %add3A_875, %mul3A_936 : i32
        %add3A_938 = arith.constant 4 : i32
        %add3A_939 = arith.addi %mul3A_937, %add3A_938 : i32
        %dma_start3A_940 = arith.constant 4 : i32
        %dma_start3A_941 = arith.constant 0 : i32
        %dma_start3A_942 = arith.constant 0 : i32
        %dma_start3A_943 = tpu.memref_slice %arg6[%dma_start3A_940, %dma_start3A_941, %dma_start3A_942] : memref<16x50x64xf32, #tpu.memory_space<vmem>> -> memref<1x50x64xf32, #tpu.memory_space<vmem>>
        %dma_start3A_944 = tpu.memref_squeeze %dma_start3A_943 : memref<1x50x64xf32, #tpu.memory_space<vmem>> -> memref<50x64xf32, #tpu.memory_space<vmem>>
        %dma_start3A_945 = arith.constant 0 : i32
        %dma_start3A_946 = tpu.memref_slice %arg5[%add3A_939, %dma_start3A_945] : memref<512x50xi32, #tpu.memory_space<vmem>> -> memref<1x50xi32, #tpu.memory_space<vmem>>
        %dma_start3A_947 = tpu.memref_squeeze %dma_start3A_946 : memref<1x50xi32, #tpu.memory_space<vmem>> -> memref<50xi32, #tpu.memory_space<vmem>>
        %dma_start3A_948 = arith.constant 0 : i32
        %dma_start3A_949 = arith.constant 0 : i32
        %dma_start3A_950 = tpu.memref_slice %arg2[%dma_start3A_948, %dma_start3A_949] : memref<1000000x64xf32, #tpu.memory_space<hbm>> -> memref<1000000x64xf32, #tpu.memory_space<hbm>>
        tpu.enqueue_indirect_dma source(%dma_start3A_950 : memref<1000000x64xf32, #tpu.memory_space<hbm>>) target(%dma_start3A_944 : memref<50x64xf32, #tpu.memory_space<vmem>>) offsets(%dma_start3A_947 : memref<50xi32, #tpu.memory_space<vmem>>) semaphore(%arg8 : memref<!tpu.dma_semaphore, #tpu.memory_space<semaphore_mem>>)
        %mul3A_951 = arith.constant 16 : i32
        %mul3A_952 = arith.muli %add3A_875, %mul3A_951 : i32
        %add3A_953 = arith.constant 5 : i32
        %add3A_954 = arith.addi %mul3A_952, %add3A_953 : i32
        %dma_start3A_955 = arith.constant 5 : i32
        %dma_start3A_956 = arith.constant 0 : i32
        %dma_start3A_957 = arith.constant 0 : i32
        %dma_start3A_958 = tpu.memref_slice %arg6[%dma_start3A_955, %dma_start3A_956, %dma_start3A_957] : memref<16x50x64xf32, #tpu.memory_space<vmem>> -> memref<1x50x64xf32, #tpu.memory_space<vmem>>
        %dma_start3A_959 = tpu.memref_squeeze %dma_start3A_958 : memref<1x50x64xf32, #tpu.memory_space<vmem>> -> memref<50x64xf32, #tpu.memory_space<vmem>>
        %dma_start3A_960 = arith.constant 0 : i32
        %dma_start3A_961 = tpu.memref_slice %arg5[%add3A_954, %dma_start3A_960] : memref<512x50xi32, #tpu.memory_space<vmem>> -> memref<1x50xi32, #tpu.memory_space<vmem>>
        %dma_start3A_962 = tpu.memref_squeeze %dma_start3A_961 : memref<1x50xi32, #tpu.memory_space<vmem>> -> memref<50xi32, #tpu.memory_space<vmem>>
        %dma_start3A_963 = arith.constant 0 : i32
        %dma_start3A_964 = arith.constant 0 : i32
        %dma_start3A_965 = tpu.memref_slice %arg2[%dma_start3A_963, %dma_start3A_964] : memref<1000000x64xf32, #tpu.memory_space<hbm>> -> memref<1000000x64xf32, #tpu.memory_space<hbm>>
        tpu.enqueue_indirect_dma source(%dma_start3A_965 : memref<1000000x64xf32, #tpu.memory_space<hbm>>) target(%dma_start3A_959 : memref<50x64xf32, #tpu.memory_space<vmem>>) offsets(%dma_start3A_962 : memref<50xi32, #tpu.memory_space<vmem>>) semaphore(%arg8 : memref<!tpu.dma_semaphore, #tpu.memory_space<semaphore_mem>>)
        %mul3A_966 = arith.constant 16 : i32
        %mul3A_967 = arith.muli %add3A_875, %mul3A_966 : i32
        %add3A_968 = arith.constant 6 : i32
        %add3A_969 = arith.addi %mul3A_967, %add3A_968 : i32
        %dma_start3A_970 = arith.constant 6 : i32
        %dma_start3A_971 = arith.constant 0 : i32
        %dma_start3A_972 = arith.constant 0 : i32
        %dma_start3A_973 = tpu.memref_slice %arg6[%dma_start3A_970, %dma_start3A_971, %dma_start3A_972] : memref<16x50x64xf32, #tpu.memory_space<vmem>> -> memref<1x50x64xf32, #tpu.memory_space<vmem>>
        %dma_start3A_974 = tpu.memref_squeeze %dma_start3A_973 : memref<1x50x64xf32, #tpu.memory_space<vmem>> -> memref<50x64xf32, #tpu.memory_space<vmem>>
        %dma_start3A_975 = arith.constant 0 : i32
        %dma_start3A_976 = tpu.memref_slice %arg5[%add3A_969, %dma_start3A_975] : memref<512x50xi32, #tpu.memory_space<vmem>> -> memref<1x50xi32, #tpu.memory_space<vmem>>
        %dma_start3A_977 = tpu.memref_squeeze %dma_start3A_976 : memref<1x50xi32, #tpu.memory_space<vmem>> -> memref<50xi32, #tpu.memory_space<vmem>>
        %dma_start3A_978 = arith.constant 0 : i32
        %dma_start3A_979 = arith.constant 0 : i32
        %dma_start3A_980 = tpu.memref_slice %arg2[%dma_start3A_978, %dma_start3A_979] : memref<1000000x64xf32, #tpu.memory_space<hbm>> -> memref<1000000x64xf32, #tpu.memory_space<hbm>>
        tpu.enqueue_indirect_dma source(%dma_start3A_980 : memref<1000000x64xf32, #tpu.memory_space<hbm>>) target(%dma_start3A_974 : memref<50x64xf32, #tpu.memory_space<vmem>>) offsets(%dma_start3A_977 : memref<50xi32, #tpu.memory_space<vmem>>) semaphore(%arg8 : memref<!tpu.dma_semaphore, #tpu.memory_space<semaphore_mem>>)
        %mul3A_981 = arith.constant 16 : i32
        %mul3A_982 = arith.muli %add3A_875, %mul3A_981 : i32
        %add3A_983 = arith.constant 7 : i32
        %add3A_984 = arith.addi %mul3A_982, %add3A_983 : i32
        %dma_start3A_985 = arith.constant 7 : i32
        %dma_start3A_986 = arith.constant 0 : i32
        %dma_start3A_987 = arith.constant 0 : i32
        %dma_start3A_988 = tpu.memref_slice %arg6[%dma_start3A_985, %dma_start3A_986, %dma_start3A_987] : memref<16x50x64xf32, #tpu.memory_space<vmem>> -> memref<1x50x64xf32, #tpu.memory_space<vmem>>
        %dma_start3A_989 = tpu.memref_squeeze %dma_start3A_988 : memref<1x50x64xf32, #tpu.memory_space<vmem>> -> memref<50x64xf32, #tpu.memory_space<vmem>>
        %dma_start3A_990 = arith.constant 0 : i32
        %dma_start3A_991 = tpu.memref_slice %arg5[%add3A_984, %dma_start3A_990] : memref<512x50xi32, #tpu.memory_space<vmem>> -> memref<1x50xi32, #tpu.memory_space<vmem>>
        %dma_start3A_992 = tpu.memref_squeeze %dma_start3A_991 : memref<1x50xi32, #tpu.memory_space<vmem>> -> memref<50xi32, #tpu.memory_space<vmem>>
        %dma_start3A_993 = arith.constant 0 : i32
        %dma_start3A_994 = arith.constant 0 : i32
        %dma_start3A_995 = tpu.memref_slice %arg2[%dma_start3A_993, %dma_start3A_994] : memref<1000000x64xf32, #tpu.memory_space<hbm>> -> memref<1000000x64xf32, #tpu.memory_space<hbm>>
        tpu.enqueue_indirect_dma source(%dma_start3A_995 : memref<1000000x64xf32, #tpu.memory_space<hbm>>) target(%dma_start3A_989 : memref<50x64xf32, #tpu.memory_space<vmem>>) offsets(%dma_start3A_992 : memref<50xi32, #tpu.memory_space<vmem>>) semaphore(%arg8 : memref<!tpu.dma_semaphore, #tpu.memory_space<semaphore_mem>>)
        %mul3A_996 = arith.constant 16 : i32
        %mul3A_997 = arith.muli %add3A_875, %mul3A_996 : i32
        %add3A_998 = arith.constant 8 : i32
        %add3A_999 = arith.addi %mul3A_997, %add3A_998 : i32
        %dma_start3A_1000 = arith.constant 8 : i32
        %dma_start3A_1001 = arith.constant 0 : i32
        %dma_start3A_1002 = arith.constant 0 : i32
        %dma_start3A_1003 = tpu.memref_slice %arg6[%dma_start3A_1000, %dma_start3A_1001, %dma_start3A_1002] : memref<16x50x64xf32, #tpu.memory_space<vmem>> -> memref<1x50x64xf32, #tpu.memory_space<vmem>>
        %dma_start3A_1004 = tpu.memref_squeeze %dma_start3A_1003 : memref<1x50x64xf32, #tpu.memory_space<vmem>> -> memref<50x64xf32, #tpu.memory_space<vmem>>
        %dma_start3A_1005 = arith.constant 0 : i32
        %dma_start3A_1006 = tpu.memref_slice %arg5[%add3A_999, %dma_start3A_1005] : memref<512x50xi32, #tpu.memory_space<vmem>> -> memref<1x50xi32, #tpu.memory_space<vmem>>
        %dma_start3A_1007 = tpu.memref_squeeze %dma_start3A_1006 : memref<1x50xi32, #tpu.memory_space<vmem>> -> memref<50xi32, #tpu.memory_space<vmem>>
        %dma_start3A_1008 = arith.constant 0 : i32
        %dma_start3A_1009 = arith.constant 0 : i32
        %dma_start3A_1010 = tpu.memref_slice %arg2[%dma_start3A_1008, %dma_start3A_1009] : memref<1000000x64xf32, #tpu.memory_space<hbm>> -> memref<1000000x64xf32, #tpu.memory_space<hbm>>
        tpu.enqueue_indirect_dma source(%dma_start3A_1010 : memref<1000000x64xf32, #tpu.memory_space<hbm>>) target(%dma_start3A_1004 : memref<50x64xf32, #tpu.memory_space<vmem>>) offsets(%dma_start3A_1007 : memref<50xi32, #tpu.memory_space<vmem>>) semaphore(%arg8 : memref<!tpu.dma_semaphore, #tpu.memory_space<semaphore_mem>>)
        %mul3A_1011 = arith.constant 16 : i32
        %mul3A_1012 = arith.muli %add3A_875, %mul3A_1011 : i32
        %add3A_1013 = arith.constant 9 : i32
        %add3A_1014 = arith.addi %mul3A_1012, %add3A_1013 : i32
        %dma_start3A_1015 = arith.constant 9 : i32
        %dma_start3A_1016 = arith.constant 0 : i32
        %dma_start3A_1017 = arith.constant 0 : i32
        %dma_start3A_1018 = tpu.memref_slice %arg6[%dma_start3A_1015, %dma_start3A_1016, %dma_start3A_1017] : memref<16x50x64xf32, #tpu.memory_space<vmem>> -> memref<1x50x64xf32, #tpu.memory_space<vmem>>
        %dma_start3A_1019 = tpu.memref_squeeze %dma_start3A_1018 : memref<1x50x64xf32, #tpu.memory_space<vmem>> -> memref<50x64xf32, #tpu.memory_space<vmem>>
        %dma_start3A_1020 = arith.constant 0 : i32
        %dma_start3A_1021 = tpu.memref_slice %arg5[%add3A_1014, %dma_start3A_1020] : memref<512x50xi32, #tpu.memory_space<vmem>> -> memref<1x50xi32, #tpu.memory_space<vmem>>
        %dma_start3A_1022 = tpu.memref_squeeze %dma_start3A_1021 : memref<1x50xi32, #tpu.memory_space<vmem>> -> memref<50xi32, #tpu.memory_space<vmem>>
        %dma_start3A_1023 = arith.constant 0 : i32
        %dma_start3A_1024 = arith.constant 0 : i32
        %dma_start3A_1025 = tpu.memref_slice %arg2[%dma_start3A_1023, %dma_start3A_1024] : memref<1000000x64xf32, #tpu.memory_space<hbm>> -> memref<1000000x64xf32, #tpu.memory_space<hbm>>
        tpu.enqueue_indirect_dma source(%dma_start3A_1025 : memref<1000000x64xf32, #tpu.memory_space<hbm>>) target(%dma_start3A_1019 : memref<50x64xf32, #tpu.memory_space<vmem>>) offsets(%dma_start3A_1022 : memref<50xi32, #tpu.memory_space<vmem>>) semaphore(%arg8 : memref<!tpu.dma_semaphore, #tpu.memory_space<semaphore_mem>>)
        %mul3A_1026 = arith.constant 16 : i32
        %mul3A_1027 = arith.muli %add3A_875, %mul3A_1026 : i32
        %add3A_1028 = arith.constant 10 : i32
        %add3A_1029 = arith.addi %mul3A_1027, %add3A_1028 : i32
        %dma_start3A_1030 = arith.constant 10 : i32
        %dma_start3A_1031 = arith.constant 0 : i32
        %dma_start3A_1032 = arith.constant 0 : i32
        %dma_start3A_1033 = tpu.memref_slice %arg6[%dma_start3A_1030, %dma_start3A_1031, %dma_start3A_1032] : memref<16x50x64xf32, #tpu.memory_space<vmem>> -> memref<1x50x64xf32, #tpu.memory_space<vmem>>
        %dma_start3A_1034 = tpu.memref_squeeze %dma_start3A_1033 : memref<1x50x64xf32, #tpu.memory_space<vmem>> -> memref<50x64xf32, #tpu.memory_space<vmem>>
        %dma_start3A_1035 = arith.constant 0 : i32
        %dma_start3A_1036 = tpu.memref_slice %arg5[%add3A_1029, %dma_start3A_1035] : memref<512x50xi32, #tpu.memory_space<vmem>> -> memref<1x50xi32, #tpu.memory_space<vmem>>
        %dma_start3A_1037 = tpu.memref_squeeze %dma_start3A_1036 : memref<1x50xi32, #tpu.memory_space<vmem>> -> memref<50xi32, #tpu.memory_space<vmem>>
        %dma_start3A_1038 = arith.constant 0 : i32
        %dma_start3A_1039 = arith.constant 0 : i32
        %dma_start3A_1040 = tpu.memref_slice %arg2[%dma_start3A_1038, %dma_start3A_1039] : memref<1000000x64xf32, #tpu.memory_space<hbm>> -> memref<1000000x64xf32, #tpu.memory_space<hbm>>
        tpu.enqueue_indirect_dma source(%dma_start3A_1040 : memref<1000000x64xf32, #tpu.memory_space<hbm>>) target(%dma_start3A_1034 : memref<50x64xf32, #tpu.memory_space<vmem>>) offsets(%dma_start3A_1037 : memref<50xi32, #tpu.memory_space<vmem>>) semaphore(%arg8 : memref<!tpu.dma_semaphore, #tpu.memory_space<semaphore_mem>>)
        %mul3A_1041 = arith.constant 16 : i32
        %mul3A_1042 = arith.muli %add3A_875, %mul3A_1041 : i32
        %add3A_1043 = arith.constant 11 : i32
        %add3A_1044 = arith.addi %mul3A_1042, %add3A_1043 : i32
        %dma_start3A_1045 = arith.constant 11 : i32
        %dma_start3A_1046 = arith.constant 0 : i32
        %dma_start3A_1047 = arith.constant 0 : i32
        %dma_start3A_1048 = tpu.memref_slice %arg6[%dma_start3A_1045, %dma_start3A_1046, %dma_start3A_1047] : memref<16x50x64xf32, #tpu.memory_space<vmem>> -> memref<1x50x64xf32, #tpu.memory_space<vmem>>
        %dma_start3A_1049 = tpu.memref_squeeze %dma_start3A_1048 : memref<1x50x64xf32, #tpu.memory_space<vmem>> -> memref<50x64xf32, #tpu.memory_space<vmem>>
        %dma_start3A_1050 = arith.constant 0 : i32
        %dma_start3A_1051 = tpu.memref_slice %arg5[%add3A_1044, %dma_start3A_1050] : memref<512x50xi32, #tpu.memory_space<vmem>> -> memref<1x50xi32, #tpu.memory_space<vmem>>
        %dma_start3A_1052 = tpu.memref_squeeze %dma_start3A_1051 : memref<1x50xi32, #tpu.memory_space<vmem>> -> memref<50xi32, #tpu.memory_space<vmem>>
        %dma_start3A_1053 = arith.constant 0 : i32
        %dma_start3A_1054 = arith.constant 0 : i32
        %dma_start3A_1055 = tpu.memref_slice %arg2[%dma_start3A_1053, %dma_start3A_1054] : memref<1000000x64xf32, #tpu.memory_space<hbm>> -> memref<1000000x64xf32, #tpu.memory_space<hbm>>
        tpu.enqueue_indirect_dma source(%dma_start3A_1055 : memref<1000000x64xf32, #tpu.memory_space<hbm>>) target(%dma_start3A_1049 : memref<50x64xf32, #tpu.memory_space<vmem>>) offsets(%dma_start3A_1052 : memref<50xi32, #tpu.memory_space<vmem>>) semaphore(%arg8 : memref<!tpu.dma_semaphore, #tpu.memory_space<semaphore_mem>>)
        %mul3A_1056 = arith.constant 16 : i32
        %mul3A_1057 = arith.muli %add3A_875, %mul3A_1056 : i32
        %add3A_1058 = arith.constant 12 : i32
        %add3A_1059 = arith.addi %mul3A_1057, %add3A_1058 : i32
        %dma_start3A_1060 = arith.constant 12 : i32
        %dma_start3A_1061 = arith.constant 0 : i32
        %dma_start3A_1062 = arith.constant 0 : i32
        %dma_start3A_1063 = tpu.memref_slice %arg6[%dma_start3A_1060, %dma_start3A_1061, %dma_start3A_1062] : memref<16x50x64xf32, #tpu.memory_space<vmem>> -> memref<1x50x64xf32, #tpu.memory_space<vmem>>
        %dma_start3A_1064 = tpu.memref_squeeze %dma_start3A_1063 : memref<1x50x64xf32, #tpu.memory_space<vmem>> -> memref<50x64xf32, #tpu.memory_space<vmem>>
        %dma_start3A_1065 = arith.constant 0 : i32
        %dma_start3A_1066 = tpu.memref_slice %arg5[%add3A_1059, %dma_start3A_1065] : memref<512x50xi32, #tpu.memory_space<vmem>> -> memref<1x50xi32, #tpu.memory_space<vmem>>
        %dma_start3A_1067 = tpu.memref_squeeze %dma_start3A_1066 : memref<1x50xi32, #tpu.memory_space<vmem>> -> memref<50xi32, #tpu.memory_space<vmem>>
        %dma_start3A_1068 = arith.constant 0 : i32
        %dma_start3A_1069 = arith.constant 0 : i32
        %dma_start3A_1070 = tpu.memref_slice %arg2[%dma_start3A_1068, %dma_start3A_1069] : memref<1000000x64xf32, #tpu.memory_space<hbm>> -> memref<1000000x64xf32, #tpu.memory_space<hbm>>
        tpu.enqueue_indirect_dma source(%dma_start3A_1070 : memref<1000000x64xf32, #tpu.memory_space<hbm>>) target(%dma_start3A_1064 : memref<50x64xf32, #tpu.memory_space<vmem>>) offsets(%dma_start3A_1067 : memref<50xi32, #tpu.memory_space<vmem>>) semaphore(%arg8 : memref<!tpu.dma_semaphore, #tpu.memory_space<semaphore_mem>>)
        %mul3A_1071 = arith.constant 16 : i32
        %mul3A_1072 = arith.muli %add3A_875, %mul3A_1071 : i32
        %add3A_1073 = arith.constant 13 : i32
        %add3A_1074 = arith.addi %mul3A_1072, %add3A_1073 : i32
        %dma_start3A_1075 = arith.constant 13 : i32
        %dma_start3A_1076 = arith.constant 0 : i32
        %dma_start3A_1077 = arith.constant 0 : i32
        %dma_start3A_1078 = tpu.memref_slice %arg6[%dma_start3A_1075, %dma_start3A_1076, %dma_start3A_1077] : memref<16x50x64xf32, #tpu.memory_space<vmem>> -> memref<1x50x64xf32, #tpu.memory_space<vmem>>
        %dma_start3A_1079 = tpu.memref_squeeze %dma_start3A_1078 : memref<1x50x64xf32, #tpu.memory_space<vmem>> -> memref<50x64xf32, #tpu.memory_space<vmem>>
        %dma_start3A_1080 = arith.constant 0 : i32
        %dma_start3A_1081 = tpu.memref_slice %arg5[%add3A_1074, %dma_start3A_1080] : memref<512x50xi32, #tpu.memory_space<vmem>> -> memref<1x50xi32, #tpu.memory_space<vmem>>
        %dma_start3A_1082 = tpu.memref_squeeze %dma_start3A_1081 : memref<1x50xi32, #tpu.memory_space<vmem>> -> memref<50xi32, #tpu.memory_space<vmem>>
        %dma_start3A_1083 = arith.constant 0 : i32
        %dma_start3A_1084 = arith.constant 0 : i32
        %dma_start3A_1085 = tpu.memref_slice %arg2[%dma_start3A_1083, %dma_start3A_1084] : memref<1000000x64xf32, #tpu.memory_space<hbm>> -> memref<1000000x64xf32, #tpu.memory_space<hbm>>
        tpu.enqueue_indirect_dma source(%dma_start3A_1085 : memref<1000000x64xf32, #tpu.memory_space<hbm>>) target(%dma_start3A_1079 : memref<50x64xf32, #tpu.memory_space<vmem>>) offsets(%dma_start3A_1082 : memref<50xi32, #tpu.memory_space<vmem>>) semaphore(%arg8 : memref<!tpu.dma_semaphore, #tpu.memory_space<semaphore_mem>>)
        %mul3A_1086 = arith.constant 16 : i32
        %mul3A_1087 = arith.muli %add3A_875, %mul3A_1086 : i32
        %add3A_1088 = arith.constant 14 : i32
        %add3A_1089 = arith.addi %mul3A_1087, %add3A_1088 : i32
        %dma_start3A_1090 = arith.constant 14 : i32
        %dma_start3A_1091 = arith.constant 0 : i32
        %dma_start3A_1092 = arith.constant 0 : i32
        %dma_start3A_1093 = tpu.memref_slice %arg6[%dma_start3A_1090, %dma_start3A_1091, %dma_start3A_1092] : memref<16x50x64xf32, #tpu.memory_space<vmem>> -> memref<1x50x64xf32, #tpu.memory_space<vmem>>
        %dma_start3A_1094 = tpu.memref_squeeze %dma_start3A_1093 : memref<1x50x64xf32, #tpu.memory_space<vmem>> -> memref<50x64xf32, #tpu.memory_space<vmem>>
        %dma_start3A_1095 = arith.constant 0 : i32
        %dma_start3A_1096 = tpu.memref_slice %arg5[%add3A_1089, %dma_start3A_1095] : memref<512x50xi32, #tpu.memory_space<vmem>> -> memref<1x50xi32, #tpu.memory_space<vmem>>
        %dma_start3A_1097 = tpu.memref_squeeze %dma_start3A_1096 : memref<1x50xi32, #tpu.memory_space<vmem>> -> memref<50xi32, #tpu.memory_space<vmem>>
        %dma_start3A_1098 = arith.constant 0 : i32
        %dma_start3A_1099 = arith.constant 0 : i32
        %dma_start3A_1100 = tpu.memref_slice %arg2[%dma_start3A_1098, %dma_start3A_1099] : memref<1000000x64xf32, #tpu.memory_space<hbm>> -> memref<1000000x64xf32, #tpu.memory_space<hbm>>
        tpu.enqueue_indirect_dma source(%dma_start3A_1100 : memref<1000000x64xf32, #tpu.memory_space<hbm>>) target(%dma_start3A_1094 : memref<50x64xf32, #tpu.memory_space<vmem>>) offsets(%dma_start3A_1097 : memref<50xi32, #tpu.memory_space<vmem>>) semaphore(%arg8 : memref<!tpu.dma_semaphore, #tpu.memory_space<semaphore_mem>>)
        %mul3A_1101 = arith.constant 16 : i32
        %mul3A_1102 = arith.muli %add3A_875, %mul3A_1101 : i32
        %add3A_1103 = arith.constant 15 : i32
        %add3A_1104 = arith.addi %mul3A_1102, %add3A_1103 : i32
        %dma_start3A_1105 = arith.constant 15 : i32
        %dma_start3A_1106 = arith.constant 0 : i32
        %dma_start3A_1107 = arith.constant 0 : i32
        %dma_start3A_1108 = tpu.memref_slice %arg6[%dma_start3A_1105, %dma_start3A_1106, %dma_start3A_1107] : memref<16x50x64xf32, #tpu.memory_space<vmem>> -> memref<1x50x64xf32, #tpu.memory_space<vmem>>
        %dma_start3A_1109 = tpu.memref_squeeze %dma_start3A_1108 : memref<1x50x64xf32, #tpu.memory_space<vmem>> -> memref<50x64xf32, #tpu.memory_space<vmem>>
        %dma_start3A_1110 = arith.constant 0 : i32
        %dma_start3A_1111 = tpu.memref_slice %arg5[%add3A_1104, %dma_start3A_1110] : memref<512x50xi32, #tpu.memory_space<vmem>> -> memref<1x50xi32, #tpu.memory_space<vmem>>
        %dma_start3A_1112 = tpu.memref_squeeze %dma_start3A_1111 : memref<1x50xi32, #tpu.memory_space<vmem>> -> memref<50xi32, #tpu.memory_space<vmem>>
        %dma_start3A_1113 = arith.constant 0 : i32
        %dma_start3A_1114 = arith.constant 0 : i32
        %dma_start3A_1115 = tpu.memref_slice %arg2[%dma_start3A_1113, %dma_start3A_1114] : memref<1000000x64xf32, #tpu.memory_space<hbm>> -> memref<1000000x64xf32, #tpu.memory_space<hbm>>
        tpu.enqueue_indirect_dma source(%dma_start3A_1115 : memref<1000000x64xf32, #tpu.memory_space<hbm>>) target(%dma_start3A_1109 : memref<50x64xf32, #tpu.memory_space<vmem>>) offsets(%dma_start3A_1112 : memref<50xi32, #tpu.memory_space<vmem>>) semaphore(%arg8 : memref<!tpu.dma_semaphore, #tpu.memory_space<semaphore_mem>>)
      } else {
      }
      %dma_wait3A_665 = arith.constant 0 : i32
      %dma_wait3A_666 = arith.constant 0 : i32
      %dma_wait3A_667 = arith.constant 0 : i32
      %dma_wait3A_668 = arith.constant 0 : i32
      %dma_wait3A_669 = tpu.memref_slice %arg7[%dma_wait3A_666, %dma_wait3A_667, %dma_wait3A_668] : memref<16x50x64xf32, #tpu.memory_space<vmem>> -> memref<1x50x64xf32, #tpu.memory_space<vmem>>
      %dma_wait3A_670 = tpu.memref_squeeze %dma_wait3A_669 : memref<1x50x64xf32, #tpu.memory_space<vmem>> -> memref<50x64xf32, #tpu.memory_space<vmem>>
      %dma_wait3A_671 = arith.constant 0 : i32
      %dma_wait3A_672 = tpu.memref_slice %arg5[%dma_wait3A_665, %dma_wait3A_671] : memref<512x50xi32, #tpu.memory_space<vmem>> -> memref<1x50xi32, #tpu.memory_space<vmem>>
      %dma_wait3A_673 = tpu.memref_squeeze %dma_wait3A_672 : memref<1x50xi32, #tpu.memory_space<vmem>> -> memref<50xi32, #tpu.memory_space<vmem>>
      %dma_wait3A_674 = arith.constant 0 : i32
      %dma_wait3A_675 = arith.constant 0 : i32
      %dma_wait3A_676 = tpu.memref_slice %arg2[%dma_wait3A_674, %dma_wait3A_675] : memref<1000000x64xf32, #tpu.memory_space<hbm>> -> memref<1000000x64xf32, #tpu.memory_space<hbm>>
      tpu.wait_indirect_dma semaphore(%arg9 : memref<!tpu.dma_semaphore, #tpu.memory_space<semaphore_mem>>) src(%dma_wait3A_676 : memref<1000000x64xf32, #tpu.memory_space<hbm>>) dst(%dma_wait3A_670 : memref<50x64xf32, #tpu.memory_space<vmem>>)
      %dma_wait3A_677 = arith.constant 1 : i32
      %dma_wait3A_678 = arith.constant 1 : i32
      %dma_wait3A_679 = arith.constant 0 : i32
      %dma_wait3A_680 = arith.constant 0 : i32
      %dma_wait3A_681 = tpu.memref_slice %arg7[%dma_wait3A_678, %dma_wait3A_679, %dma_wait3A_680] : memref<16x50x64xf32, #tpu.memory_space<vmem>> -> memref<1x50x64xf32, #tpu.memory_space<vmem>>
      %dma_wait3A_682 = tpu.memref_squeeze %dma_wait3A_681 : memref<1x50x64xf32, #tpu.memory_space<vmem>> -> memref<50x64xf32, #tpu.memory_space<vmem>>
      %dma_wait3A_683 = arith.constant 0 : i32
      %dma_wait3A_684 = tpu.memref_slice %arg5[%dma_wait3A_677, %dma_wait3A_683] : memref<512x50xi32, #tpu.memory_space<vmem>> -> memref<1x50xi32, #tpu.memory_space<vmem>>
      %dma_wait3A_685 = tpu.memref_squeeze %dma_wait3A_684 : memref<1x50xi32, #tpu.memory_space<vmem>> -> memref<50xi32, #tpu.memory_space<vmem>>
      %dma_wait3A_686 = arith.constant 0 : i32
      %dma_wait3A_687 = arith.constant 0 : i32
      %dma_wait3A_688 = tpu.memref_slice %arg2[%dma_wait3A_686, %dma_wait3A_687] : memref<1000000x64xf32, #tpu.memory_space<hbm>> -> memref<1000000x64xf32, #tpu.memory_space<hbm>>
      tpu.wait_indirect_dma semaphore(%arg9 : memref<!tpu.dma_semaphore, #tpu.memory_space<semaphore_mem>>) src(%dma_wait3A_688 : memref<1000000x64xf32, #tpu.memory_space<hbm>>) dst(%dma_wait3A_682 : memref<50x64xf32, #tpu.memory_space<vmem>>)
      %dma_wait3A_689 = arith.constant 2 : i32
      %dma_wait3A_690 = arith.constant 2 : i32
      %dma_wait3A_691 = arith.constant 0 : i32
      %dma_wait3A_692 = arith.constant 0 : i32
      %dma_wait3A_693 = tpu.memref_slice %arg7[%dma_wait3A_690, %dma_wait3A_691, %dma_wait3A_692] : memref<16x50x64xf32, #tpu.memory_space<vmem>> -> memref<1x50x64xf32, #tpu.memory_space<vmem>>
      %dma_wait3A_694 = tpu.memref_squeeze %dma_wait3A_693 : memref<1x50x64xf32, #tpu.memory_space<vmem>> -> memref<50x64xf32, #tpu.memory_space<vmem>>
      %dma_wait3A_695 = arith.constant 0 : i32
      %dma_wait3A_696 = tpu.memref_slice %arg5[%dma_wait3A_689, %dma_wait3A_695] : memref<512x50xi32, #tpu.memory_space<vmem>> -> memref<1x50xi32, #tpu.memory_space<vmem>>
      %dma_wait3A_697 = tpu.memref_squeeze %dma_wait3A_696 : memref<1x50xi32, #tpu.memory_space<vmem>> -> memref<50xi32, #tpu.memory_space<vmem>>
      %dma_wait3A_698 = arith.constant 0 : i32
      %dma_wait3A_699 = arith.constant 0 : i32
      %dma_wait3A_700 = tpu.memref_slice %arg2[%dma_wait3A_698, %dma_wait3A_699] : memref<1000000x64xf32, #tpu.memory_space<hbm>> -> memref<1000000x64xf32, #tpu.memory_space<hbm>>
      tpu.wait_indirect_dma semaphore(%arg9 : memref<!tpu.dma_semaphore, #tpu.memory_space<semaphore_mem>>) src(%dma_wait3A_700 : memref<1000000x64xf32, #tpu.memory_space<hbm>>) dst(%dma_wait3A_694 : memref<50x64xf32, #tpu.memory_space<vmem>>)
      %dma_wait3A_701 = arith.constant 3 : i32
      %dma_wait3A_702 = arith.constant 3 : i32
      %dma_wait3A_703 = arith.constant 0 : i32
      %dma_wait3A_704 = arith.constant 0 : i32
      %dma_wait3A_705 = tpu.memref_slice %arg7[%dma_wait3A_702, %dma_wait3A_703, %dma_wait3A_704] : memref<16x50x64xf32, #tpu.memory_space<vmem>> -> memref<1x50x64xf32, #tpu.memory_space<vmem>>
      %dma_wait3A_706 = tpu.memref_squeeze %dma_wait3A_705 : memref<1x50x64xf32, #tpu.memory_space<vmem>> -> memref<50x64xf32, #tpu.memory_space<vmem>>
      %dma_wait3A_707 = arith.constant 0 : i32
      %dma_wait3A_708 = tpu.memref_slice %arg5[%dma_wait3A_701, %dma_wait3A_707] : memref<512x50xi32, #tpu.memory_space<vmem>> -> memref<1x50xi32, #tpu.memory_space<vmem>>
      %dma_wait3A_709 = tpu.memref_squeeze %dma_wait3A_708 : memref<1x50xi32, #tpu.memory_space<vmem>> -> memref<50xi32, #tpu.memory_space<vmem>>
      %dma_wait3A_710 = arith.constant 0 : i32
      %dma_wait3A_711 = arith.constant 0 : i32
      %dma_wait3A_712 = tpu.memref_slice %arg2[%dma_wait3A_710, %dma_wait3A_711] : memref<1000000x64xf32, #tpu.memory_space<hbm>> -> memref<1000000x64xf32, #tpu.memory_space<hbm>>
      tpu.wait_indirect_dma semaphore(%arg9 : memref<!tpu.dma_semaphore, #tpu.memory_space<semaphore_mem>>) src(%dma_wait3A_712 : memref<1000000x64xf32, #tpu.memory_space<hbm>>) dst(%dma_wait3A_706 : memref<50x64xf32, #tpu.memory_space<vmem>>)
      %dma_wait3A_713 = arith.constant 4 : i32
      %dma_wait3A_714 = arith.constant 4 : i32
      %dma_wait3A_715 = arith.constant 0 : i32
      %dma_wait3A_716 = arith.constant 0 : i32
      %dma_wait3A_717 = tpu.memref_slice %arg7[%dma_wait3A_714, %dma_wait3A_715, %dma_wait3A_716] : memref<16x50x64xf32, #tpu.memory_space<vmem>> -> memref<1x50x64xf32, #tpu.memory_space<vmem>>
      %dma_wait3A_718 = tpu.memref_squeeze %dma_wait3A_717 : memref<1x50x64xf32, #tpu.memory_space<vmem>> -> memref<50x64xf32, #tpu.memory_space<vmem>>
      %dma_wait3A_719 = arith.constant 0 : i32
      %dma_wait3A_720 = tpu.memref_slice %arg5[%dma_wait3A_713, %dma_wait3A_719] : memref<512x50xi32, #tpu.memory_space<vmem>> -> memref<1x50xi32, #tpu.memory_space<vmem>>
      %dma_wait3A_721 = tpu.memref_squeeze %dma_wait3A_720 : memref<1x50xi32, #tpu.memory_space<vmem>> -> memref<50xi32, #tpu.memory_space<vmem>>
      %dma_wait3A_722 = arith.constant 0 : i32
      %dma_wait3A_723 = arith.constant 0 : i32
      %dma_wait3A_724 = tpu.memref_slice %arg2[%dma_wait3A_722, %dma_wait3A_723] : memref<1000000x64xf32, #tpu.memory_space<hbm>> -> memref<1000000x64xf32, #tpu.memory_space<hbm>>
      tpu.wait_indirect_dma semaphore(%arg9 : memref<!tpu.dma_semaphore, #tpu.memory_space<semaphore_mem>>) src(%dma_wait3A_724 : memref<1000000x64xf32, #tpu.memory_space<hbm>>) dst(%dma_wait3A_718 : memref<50x64xf32, #tpu.memory_space<vmem>>)
      %dma_wait3A_725 = arith.constant 5 : i32
      %dma_wait3A_726 = arith.constant 5 : i32
      %dma_wait3A_727 = arith.constant 0 : i32
      %dma_wait3A_728 = arith.constant 0 : i32
      %dma_wait3A_729 = tpu.memref_slice %arg7[%dma_wait3A_726, %dma_wait3A_727, %dma_wait3A_728] : memref<16x50x64xf32, #tpu.memory_space<vmem>> -> memref<1x50x64xf32, #tpu.memory_space<vmem>>
      %dma_wait3A_730 = tpu.memref_squeeze %dma_wait3A_729 : memref<1x50x64xf32, #tpu.memory_space<vmem>> -> memref<50x64xf32, #tpu.memory_space<vmem>>
      %dma_wait3A_731 = arith.constant 0 : i32
      %dma_wait3A_732 = tpu.memref_slice %arg5[%dma_wait3A_725, %dma_wait3A_731] : memref<512x50xi32, #tpu.memory_space<vmem>> -> memref<1x50xi32, #tpu.memory_space<vmem>>
      %dma_wait3A_733 = tpu.memref_squeeze %dma_wait3A_732 : memref<1x50xi32, #tpu.memory_space<vmem>> -> memref<50xi32, #tpu.memory_space<vmem>>
      %dma_wait3A_734 = arith.constant 0 : i32
      %dma_wait3A_735 = arith.constant 0 : i32
      %dma_wait3A_736 = tpu.memref_slice %arg2[%dma_wait3A_734, %dma_wait3A_735] : memref<1000000x64xf32, #tpu.memory_space<hbm>> -> memref<1000000x64xf32, #tpu.memory_space<hbm>>
      tpu.wait_indirect_dma semaphore(%arg9 : memref<!tpu.dma_semaphore, #tpu.memory_space<semaphore_mem>>) src(%dma_wait3A_736 : memref<1000000x64xf32, #tpu.memory_space<hbm>>) dst(%dma_wait3A_730 : memref<50x64xf32, #tpu.memory_space<vmem>>)
      %dma_wait3A_737 = arith.constant 6 : i32
      %dma_wait3A_738 = arith.constant 6 : i32
      %dma_wait3A_739 = arith.constant 0 : i32
      %dma_wait3A_740 = arith.constant 0 : i32
      %dma_wait3A_741 = tpu.memref_slice %arg7[%dma_wait3A_738, %dma_wait3A_739, %dma_wait3A_740] : memref<16x50x64xf32, #tpu.memory_space<vmem>> -> memref<1x50x64xf32, #tpu.memory_space<vmem>>
      %dma_wait3A_742 = tpu.memref_squeeze %dma_wait3A_741 : memref<1x50x64xf32, #tpu.memory_space<vmem>> -> memref<50x64xf32, #tpu.memory_space<vmem>>
      %dma_wait3A_743 = arith.constant 0 : i32
      %dma_wait3A_744 = tpu.memref_slice %arg5[%dma_wait3A_737, %dma_wait3A_743] : memref<512x50xi32, #tpu.memory_space<vmem>> -> memref<1x50xi32, #tpu.memory_space<vmem>>
      %dma_wait3A_745 = tpu.memref_squeeze %dma_wait3A_744 : memref<1x50xi32, #tpu.memory_space<vmem>> -> memref<50xi32, #tpu.memory_space<vmem>>
      %dma_wait3A_746 = arith.constant 0 : i32
      %dma_wait3A_747 = arith.constant 0 : i32
      %dma_wait3A_748 = tpu.memref_slice %arg2[%dma_wait3A_746, %dma_wait3A_747] : memref<1000000x64xf32, #tpu.memory_space<hbm>> -> memref<1000000x64xf32, #tpu.memory_space<hbm>>
      tpu.wait_indirect_dma semaphore(%arg9 : memref<!tpu.dma_semaphore, #tpu.memory_space<semaphore_mem>>) src(%dma_wait3A_748 : memref<1000000x64xf32, #tpu.memory_space<hbm>>) dst(%dma_wait3A_742 : memref<50x64xf32, #tpu.memory_space<vmem>>)
      %dma_wait3A_749 = arith.constant 7 : i32
      %dma_wait3A_750 = arith.constant 7 : i32
      %dma_wait3A_751 = arith.constant 0 : i32
      %dma_wait3A_752 = arith.constant 0 : i32
      %dma_wait3A_753 = tpu.memref_slice %arg7[%dma_wait3A_750, %dma_wait3A_751, %dma_wait3A_752] : memref<16x50x64xf32, #tpu.memory_space<vmem>> -> memref<1x50x64xf32, #tpu.memory_space<vmem>>
      %dma_wait3A_754 = tpu.memref_squeeze %dma_wait3A_753 : memref<1x50x64xf32, #tpu.memory_space<vmem>> -> memref<50x64xf32, #tpu.memory_space<vmem>>
      %dma_wait3A_755 = arith.constant 0 : i32
      %dma_wait3A_756 = tpu.memref_slice %arg5[%dma_wait3A_749, %dma_wait3A_755] : memref<512x50xi32, #tpu.memory_space<vmem>> -> memref<1x50xi32, #tpu.memory_space<vmem>>
      %dma_wait3A_757 = tpu.memref_squeeze %dma_wait3A_756 : memref<1x50xi32, #tpu.memory_space<vmem>> -> memref<50xi32, #tpu.memory_space<vmem>>
      %dma_wait3A_758 = arith.constant 0 : i32
      %dma_wait3A_759 = arith.constant 0 : i32
      %dma_wait3A_760 = tpu.memref_slice %arg2[%dma_wait3A_758, %dma_wait3A_759] : memref<1000000x64xf32, #tpu.memory_space<hbm>> -> memref<1000000x64xf32, #tpu.memory_space<hbm>>
      tpu.wait_indirect_dma semaphore(%arg9 : memref<!tpu.dma_semaphore, #tpu.memory_space<semaphore_mem>>) src(%dma_wait3A_760 : memref<1000000x64xf32, #tpu.memory_space<hbm>>) dst(%dma_wait3A_754 : memref<50x64xf32, #tpu.memory_space<vmem>>)
      %dma_wait3A_761 = arith.constant 8 : i32
      %dma_wait3A_762 = arith.constant 8 : i32
      %dma_wait3A_763 = arith.constant 0 : i32
      %dma_wait3A_764 = arith.constant 0 : i32
      %dma_wait3A_765 = tpu.memref_slice %arg7[%dma_wait3A_762, %dma_wait3A_763, %dma_wait3A_764] : memref<16x50x64xf32, #tpu.memory_space<vmem>> -> memref<1x50x64xf32, #tpu.memory_space<vmem>>
      %dma_wait3A_766 = tpu.memref_squeeze %dma_wait3A_765 : memref<1x50x64xf32, #tpu.memory_space<vmem>> -> memref<50x64xf32, #tpu.memory_space<vmem>>
      %dma_wait3A_767 = arith.constant 0 : i32
      %dma_wait3A_768 = tpu.memref_slice %arg5[%dma_wait3A_761, %dma_wait3A_767] : memref<512x50xi32, #tpu.memory_space<vmem>> -> memref<1x50xi32, #tpu.memory_space<vmem>>
      %dma_wait3A_769 = tpu.memref_squeeze %dma_wait3A_768 : memref<1x50xi32, #tpu.memory_space<vmem>> -> memref<50xi32, #tpu.memory_space<vmem>>
      %dma_wait3A_770 = arith.constant 0 : i32
      %dma_wait3A_771 = arith.constant 0 : i32
      %dma_wait3A_772 = tpu.memref_slice %arg2[%dma_wait3A_770, %dma_wait3A_771] : memref<1000000x64xf32, #tpu.memory_space<hbm>> -> memref<1000000x64xf32, #tpu.memory_space<hbm>>
      tpu.wait_indirect_dma semaphore(%arg9 : memref<!tpu.dma_semaphore, #tpu.memory_space<semaphore_mem>>) src(%dma_wait3A_772 : memref<1000000x64xf32, #tpu.memory_space<hbm>>) dst(%dma_wait3A_766 : memref<50x64xf32, #tpu.memory_space<vmem>>)
      %dma_wait3A_773 = arith.constant 9 : i32
      %dma_wait3A_774 = arith.constant 9 : i32
      %dma_wait3A_775 = arith.constant 0 : i32
      %dma_wait3A_776 = arith.constant 0 : i32
      %dma_wait3A_777 = tpu.memref_slice %arg7[%dma_wait3A_774, %dma_wait3A_775, %dma_wait3A_776] : memref<16x50x64xf32, #tpu.memory_space<vmem>> -> memref<1x50x64xf32, #tpu.memory_space<vmem>>
      %dma_wait3A_778 = tpu.memref_squeeze %dma_wait3A_777 : memref<1x50x64xf32, #tpu.memory_space<vmem>> -> memref<50x64xf32, #tpu.memory_space<vmem>>
      %dma_wait3A_779 = arith.constant 0 : i32
      %dma_wait3A_780 = tpu.memref_slice %arg5[%dma_wait3A_773, %dma_wait3A_779] : memref<512x50xi32, #tpu.memory_space<vmem>> -> memref<1x50xi32, #tpu.memory_space<vmem>>
      %dma_wait3A_781 = tpu.memref_squeeze %dma_wait3A_780 : memref<1x50xi32, #tpu.memory_space<vmem>> -> memref<50xi32, #tpu.memory_space<vmem>>
      %dma_wait3A_782 = arith.constant 0 : i32
      %dma_wait3A_783 = arith.constant 0 : i32
      %dma_wait3A_784 = tpu.memref_slice %arg2[%dma_wait3A_782, %dma_wait3A_783] : memref<1000000x64xf32, #tpu.memory_space<hbm>> -> memref<1000000x64xf32, #tpu.memory_space<hbm>>
      tpu.wait_indirect_dma semaphore(%arg9 : memref<!tpu.dma_semaphore, #tpu.memory_space<semaphore_mem>>) src(%dma_wait3A_784 : memref<1000000x64xf32, #tpu.memory_space<hbm>>) dst(%dma_wait3A_778 : memref<50x64xf32, #tpu.memory_space<vmem>>)
      %dma_wait3A_785 = arith.constant 10 : i32
      %dma_wait3A_786 = arith.constant 10 : i32
      %dma_wait3A_787 = arith.constant 0 : i32
      %dma_wait3A_788 = arith.constant 0 : i32
      %dma_wait3A_789 = tpu.memref_slice %arg7[%dma_wait3A_786, %dma_wait3A_787, %dma_wait3A_788] : memref<16x50x64xf32, #tpu.memory_space<vmem>> -> memref<1x50x64xf32, #tpu.memory_space<vmem>>
      %dma_wait3A_790 = tpu.memref_squeeze %dma_wait3A_789 : memref<1x50x64xf32, #tpu.memory_space<vmem>> -> memref<50x64xf32, #tpu.memory_space<vmem>>
      %dma_wait3A_791 = arith.constant 0 : i32
      %dma_wait3A_792 = tpu.memref_slice %arg5[%dma_wait3A_785, %dma_wait3A_791] : memref<512x50xi32, #tpu.memory_space<vmem>> -> memref<1x50xi32, #tpu.memory_space<vmem>>
      %dma_wait3A_793 = tpu.memref_squeeze %dma_wait3A_792 : memref<1x50xi32, #tpu.memory_space<vmem>> -> memref<50xi32, #tpu.memory_space<vmem>>
      %dma_wait3A_794 = arith.constant 0 : i32
      %dma_wait3A_795 = arith.constant 0 : i32
      %dma_wait3A_796 = tpu.memref_slice %arg2[%dma_wait3A_794, %dma_wait3A_795] : memref<1000000x64xf32, #tpu.memory_space<hbm>> -> memref<1000000x64xf32, #tpu.memory_space<hbm>>
      tpu.wait_indirect_dma semaphore(%arg9 : memref<!tpu.dma_semaphore, #tpu.memory_space<semaphore_mem>>) src(%dma_wait3A_796 : memref<1000000x64xf32, #tpu.memory_space<hbm>>) dst(%dma_wait3A_790 : memref<50x64xf32, #tpu.memory_space<vmem>>)
      %dma_wait3A_797 = arith.constant 11 : i32
      %dma_wait3A_798 = arith.constant 11 : i32
      %dma_wait3A_799 = arith.constant 0 : i32
      %dma_wait3A_800 = arith.constant 0 : i32
      %dma_wait3A_801 = tpu.memref_slice %arg7[%dma_wait3A_798, %dma_wait3A_799, %dma_wait3A_800] : memref<16x50x64xf32, #tpu.memory_space<vmem>> -> memref<1x50x64xf32, #tpu.memory_space<vmem>>
      %dma_wait3A_802 = tpu.memref_squeeze %dma_wait3A_801 : memref<1x50x64xf32, #tpu.memory_space<vmem>> -> memref<50x64xf32, #tpu.memory_space<vmem>>
      %dma_wait3A_803 = arith.constant 0 : i32
      %dma_wait3A_804 = tpu.memref_slice %arg5[%dma_wait3A_797, %dma_wait3A_803] : memref<512x50xi32, #tpu.memory_space<vmem>> -> memref<1x50xi32, #tpu.memory_space<vmem>>
      %dma_wait3A_805 = tpu.memref_squeeze %dma_wait3A_804 : memref<1x50xi32, #tpu.memory_space<vmem>> -> memref<50xi32, #tpu.memory_space<vmem>>
      %dma_wait3A_806 = arith.constant 0 : i32
      %dma_wait3A_807 = arith.constant 0 : i32
      %dma_wait3A_808 = tpu.memref_slice %arg2[%dma_wait3A_806, %dma_wait3A_807] : memref<1000000x64xf32, #tpu.memory_space<hbm>> -> memref<1000000x64xf32, #tpu.memory_space<hbm>>
      tpu.wait_indirect_dma semaphore(%arg9 : memref<!tpu.dma_semaphore, #tpu.memory_space<semaphore_mem>>) src(%dma_wait3A_808 : memref<1000000x64xf32, #tpu.memory_space<hbm>>) dst(%dma_wait3A_802 : memref<50x64xf32, #tpu.memory_space<vmem>>)
      %dma_wait3A_809 = arith.constant 12 : i32
      %dma_wait3A_810 = arith.constant 12 : i32
      %dma_wait3A_811 = arith.constant 0 : i32
      %dma_wait3A_812 = arith.constant 0 : i32
      %dma_wait3A_813 = tpu.memref_slice %arg7[%dma_wait3A_810, %dma_wait3A_811, %dma_wait3A_812] : memref<16x50x64xf32, #tpu.memory_space<vmem>> -> memref<1x50x64xf32, #tpu.memory_space<vmem>>
      %dma_wait3A_814 = tpu.memref_squeeze %dma_wait3A_813 : memref<1x50x64xf32, #tpu.memory_space<vmem>> -> memref<50x64xf32, #tpu.memory_space<vmem>>
      %dma_wait3A_815 = arith.constant 0 : i32
      %dma_wait3A_816 = tpu.memref_slice %arg5[%dma_wait3A_809, %dma_wait3A_815] : memref<512x50xi32, #tpu.memory_space<vmem>> -> memref<1x50xi32, #tpu.memory_space<vmem>>
      %dma_wait3A_817 = tpu.memref_squeeze %dma_wait3A_816 : memref<1x50xi32, #tpu.memory_space<vmem>> -> memref<50xi32, #tpu.memory_space<vmem>>
      %dma_wait3A_818 = arith.constant 0 : i32
      %dma_wait3A_819 = arith.constant 0 : i32
      %dma_wait3A_820 = tpu.memref_slice %arg2[%dma_wait3A_818, %dma_wait3A_819] : memref<1000000x64xf32, #tpu.memory_space<hbm>> -> memref<1000000x64xf32, #tpu.memory_space<hbm>>
      tpu.wait_indirect_dma semaphore(%arg9 : memref<!tpu.dma_semaphore, #tpu.memory_space<semaphore_mem>>) src(%dma_wait3A_820 : memref<1000000x64xf32, #tpu.memory_space<hbm>>) dst(%dma_wait3A_814 : memref<50x64xf32, #tpu.memory_space<vmem>>)
      %dma_wait3A_821 = arith.constant 13 : i32
      %dma_wait3A_822 = arith.constant 13 : i32
      %dma_wait3A_823 = arith.constant 0 : i32
      %dma_wait3A_824 = arith.constant 0 : i32
      %dma_wait3A_825 = tpu.memref_slice %arg7[%dma_wait3A_822, %dma_wait3A_823, %dma_wait3A_824] : memref<16x50x64xf32, #tpu.memory_space<vmem>> -> memref<1x50x64xf32, #tpu.memory_space<vmem>>
      %dma_wait3A_826 = tpu.memref_squeeze %dma_wait3A_825 : memref<1x50x64xf32, #tpu.memory_space<vmem>> -> memref<50x64xf32, #tpu.memory_space<vmem>>
      %dma_wait3A_827 = arith.constant 0 : i32
      %dma_wait3A_828 = tpu.memref_slice %arg5[%dma_wait3A_821, %dma_wait3A_827] : memref<512x50xi32, #tpu.memory_space<vmem>> -> memref<1x50xi32, #tpu.memory_space<vmem>>
      %dma_wait3A_829 = tpu.memref_squeeze %dma_wait3A_828 : memref<1x50xi32, #tpu.memory_space<vmem>> -> memref<50xi32, #tpu.memory_space<vmem>>
      %dma_wait3A_830 = arith.constant 0 : i32
      %dma_wait3A_831 = arith.constant 0 : i32
      %dma_wait3A_832 = tpu.memref_slice %arg2[%dma_wait3A_830, %dma_wait3A_831] : memref<1000000x64xf32, #tpu.memory_space<hbm>> -> memref<1000000x64xf32, #tpu.memory_space<hbm>>
      tpu.wait_indirect_dma semaphore(%arg9 : memref<!tpu.dma_semaphore, #tpu.memory_space<semaphore_mem>>) src(%dma_wait3A_832 : memref<1000000x64xf32, #tpu.memory_space<hbm>>) dst(%dma_wait3A_826 : memref<50x64xf32, #tpu.memory_space<vmem>>)
      %dma_wait3A_833 = arith.constant 14 : i32
      %dma_wait3A_834 = arith.constant 14 : i32
      %dma_wait3A_835 = arith.constant 0 : i32
      %dma_wait3A_836 = arith.constant 0 : i32
      %dma_wait3A_837 = tpu.memref_slice %arg7[%dma_wait3A_834, %dma_wait3A_835, %dma_wait3A_836] : memref<16x50x64xf32, #tpu.memory_space<vmem>> -> memref<1x50x64xf32, #tpu.memory_space<vmem>>
      %dma_wait3A_838 = tpu.memref_squeeze %dma_wait3A_837 : memref<1x50x64xf32, #tpu.memory_space<vmem>> -> memref<50x64xf32, #tpu.memory_space<vmem>>
      %dma_wait3A_839 = arith.constant 0 : i32
      %dma_wait3A_840 = tpu.memref_slice %arg5[%dma_wait3A_833, %dma_wait3A_839] : memref<512x50xi32, #tpu.memory_space<vmem>> -> memref<1x50xi32, #tpu.memory_space<vmem>>
      %dma_wait3A_841 = tpu.memref_squeeze %dma_wait3A_840 : memref<1x50xi32, #tpu.memory_space<vmem>> -> memref<50xi32, #tpu.memory_space<vmem>>
      %dma_wait3A_842 = arith.constant 0 : i32
      %dma_wait3A_843 = arith.constant 0 : i32
      %dma_wait3A_844 = tpu.memref_slice %arg2[%dma_wait3A_842, %dma_wait3A_843] : memref<1000000x64xf32, #tpu.memory_space<hbm>> -> memref<1000000x64xf32, #tpu.memory_space<hbm>>
      tpu.wait_indirect_dma semaphore(%arg9 : memref<!tpu.dma_semaphore, #tpu.memory_space<semaphore_mem>>) src(%dma_wait3A_844 : memref<1000000x64xf32, #tpu.memory_space<hbm>>) dst(%dma_wait3A_838 : memref<50x64xf32, #tpu.memory_space<vmem>>)
      %dma_wait3A_845 = arith.constant 15 : i32
      %dma_wait3A_846 = arith.constant 15 : i32
      %dma_wait3A_847 = arith.constant 0 : i32
      %dma_wait3A_848 = arith.constant 0 : i32
      %dma_wait3A_849 = tpu.memref_slice %arg7[%dma_wait3A_846, %dma_wait3A_847, %dma_wait3A_848] : memref<16x50x64xf32, #tpu.memory_space<vmem>> -> memref<1x50x64xf32, #tpu.memory_space<vmem>>
      %dma_wait3A_850 = tpu.memref_squeeze %dma_wait3A_849 : memref<1x50x64xf32, #tpu.memory_space<vmem>> -> memref<50x64xf32, #tpu.memory_space<vmem>>
      %dma_wait3A_851 = arith.constant 0 : i32
      %dma_wait3A_852 = tpu.memref_slice %arg5[%dma_wait3A_845, %dma_wait3A_851] : memref<512x50xi32, #tpu.memory_space<vmem>> -> memref<1x50xi32, #tpu.memory_space<vmem>>
      %dma_wait3A_853 = tpu.memref_squeeze %dma_wait3A_852 : memref<1x50xi32, #tpu.memory_space<vmem>> -> memref<50xi32, #tpu.memory_space<vmem>>
      %dma_wait3A_854 = arith.constant 0 : i32
      %dma_wait3A_855 = arith.constant 0 : i32
      %dma_wait3A_856 = tpu.memref_slice %arg2[%dma_wait3A_854, %dma_wait3A_855] : memref<1000000x64xf32, #tpu.memory_space<hbm>> -> memref<1000000x64xf32, #tpu.memory_space<hbm>>
      tpu.wait_indirect_dma semaphore(%arg9 : memref<!tpu.dma_semaphore, #tpu.memory_space<semaphore_mem>>) src(%dma_wait3A_856 : memref<1000000x64xf32, #tpu.memory_space<hbm>>) dst(%dma_wait3A_850 : memref<50x64xf32, #tpu.memory_space<vmem>>)
      %add3A_857 = arith.constant 1 : i32
      %add3A_858 = arith.addi %mul3A_215, %add3A_857 : i32
      %mul3A_859 = arith.constant 16 : i32
      %mul3A_860 = arith.muli %add3A_858, %mul3A_859 : i32
      %add3A_861 = arith.addi %mul3A_2, %mul3A_860 : i32
      %dma_start3A_862 = arith.constant 0 : i32
      %dma_start3A_863 = arith.constant 0 : i32
      %dma_start3A_864 = tpu.memref_slice %arg4[%add3A_861, %dma_start3A_862, %dma_start3A_863] : memref<16384x50x64xf32, #tpu.memory_space<hbm>> -> memref<16x50x64xf32, #tpu.memory_space<hbm>>
      %dma_start3A_865 = arith.constant 0 : i32
      %dma_start3A_866 = arith.constant 0 : i32
      %dma_start3A_867 = tpu.memref_slice %arg4[%add3A_861, %dma_start3A_865, %dma_start3A_866] : memref<16384x50x64xf32, #tpu.memory_space<hbm>> -> memref<16x50x64xf32, #tpu.memory_space<hbm>>
      tpu.enqueue_dma source(%arg7 : memref<16x50x64xf32, #tpu.memory_space<vmem>>) target(%dma_start3A_867 : memref<16x50x64xf32, #tpu.memory_space<hbm>>) target_semaphore(%arg11 : memref<!tpu.dma_semaphore, #tpu.memory_space<semaphore_mem>>)
    }
    %scan3A_197 = arith.constant 16 : i32
    %dma_wait3A = arith.constant 0 : i32
    %dma_wait3A_198 = arith.constant 0 : i32
    %dma_wait3A_199 = tpu.memref_slice %arg4[%mul3A_2, %dma_wait3A, %dma_wait3A_198] : memref<16384x50x64xf32, #tpu.memory_space<hbm>> -> memref<16x50x64xf32, #tpu.memory_space<hbm>>
    %dma_wait3A_200 = arith.constant 0 : i32
    %dma_wait3A_201 = arith.constant 0 : i32
    %dma_wait3A_202 = tpu.memref_slice %arg4[%mul3A_2, %dma_wait3A_200, %dma_wait3A_201] : memref<16384x50x64xf32, #tpu.memory_space<hbm>> -> memref<16x50x64xf32, #tpu.memory_space<hbm>>
    tpu.wait_dma2 semaphore(%arg10 : memref<!tpu.dma_semaphore, #tpu.memory_space<semaphore_mem>>) src(%arg6 : memref<16x50x64xf32, #tpu.memory_space<vmem>>) dst(%dma_wait3A_202 : memref<16x50x64xf32, #tpu.memory_space<hbm>>)
    %dma_wait3A_203 = arith.constant 0 : i32
    %dma_wait3A_204 = arith.constant 0 : i32
    %dma_wait3A_205 = tpu.memref_slice %arg4[%mul3A_2, %dma_wait3A_203, %dma_wait3A_204] : memref<16384x50x64xf32, #tpu.memory_space<hbm>> -> memref<16x50x64xf32, #tpu.memory_space<hbm>>
    %dma_wait3A_206 = arith.constant 0 : i32
    %dma_wait3A_207 = arith.constant 0 : i32
    %dma_wait3A_208 = tpu.memref_slice %arg4[%mul3A_2, %dma_wait3A_206, %dma_wait3A_207] : memref<16384x50x64xf32, #tpu.memory_space<hbm>> -> memref<16x50x64xf32, #tpu.memory_space<hbm>>
    tpu.wait_dma2 semaphore(%arg11 : memref<!tpu.dma_semaphore, #tpu.memory_space<semaphore_mem>>) src(%arg7 : memref<16x50x64xf32, #tpu.memory_space<vmem>>) dst(%dma_wait3A_208 : memref<16x50x64xf32, #tpu.memory_space<hbm>>)
    return
  }
}

</mosaic_0001>

<sc_bundles>
// kernel: _lookup.3.cloned.1.call-start
scs
__scs_entry_jumppad:
0x0: {  	(pc) =	sbr.rel $0x88, $3  }
0x1: {  	(tag) =	ssettag $0x0;
	lr =	simm.s32 $0x1  }
0x2: {  	[smem:$0x3F9F] =	sst lr;
	_ =	strace $0xD0000000  }
0x3: {  	_ = 	snop  }
0x4: {  	_ = 	snop  }
0x5: {  	_ = 	snop  }
0x6: {  	_ = 	snop  }
0x7: {  	_ = 	snop  }
__scs_overlays_trampoline_lowered:
0x8: {  	[smem:$0x3FAE] =	sst s0  }
0x9: {  	[smem:$0x3FAF] =	sst s1  }
0xa: {  	[smem:$0x3FB0] =	sst s2  }
0xb: {  	[smem:$0x3FB1] =	sst s3  }
0xc: {  	[smem:$0x3FB2] =	sst s4  }
0xd: {  	[smem:$0x3FB3] =	sst s5  }
0xe: {  	[smem:$0x3FB4] =	sst s6  }
0xf: {  	[smem:$0x3FB5] =	sst s7  }
0x10: {  	[smem:$0x3FB6] =	sst s8  }
0x11: {  	[smem:$0x3FB7] =	sst s9;
	s0 =	simm.s32 @!p0 $0x0  }
0x12: {  	s1 =	sld [smem:$0x3F9D];
	s0 =	simm.s32 @p0 $0x1  }
0x13: {  	[smem:$0x3FB8] =	sst s0;
	s0 =	simm.s32 @!p1 $0x0  }
0x14: {  	s2 =	sld [smem:$0x3F9C];
	s0 =	simm.s32 @p1 $0x1  }
0x15: {  	[smem:$0x3FB9] =	sst s0;
	s0 =	simm.s32 @!p2 $0x0  }
0x16: {  	s3 =	sld [smem:$0x3FDB];
	s0 =	simm.s32 @p2 $0x1  }
0x17: {  	s4 =	simm.s32 $0x1BF5;
	[smem:$0x3FBB] =	sst s0  }
0x18: {  	s0 =	sld [smem:$0x3F9E];
	_ =	swait.ge [sflag:s4], $0x0  }
0x19: {  	s7 =	sld [smem:$0x3F9F]  }
0x1a: {  	s8 =	sadd.s32 $0xFFFFE003, lr  }
0x1b: {  	s9 =	sadd.s32 $0xFFFFFEF7, lr;
	s5 =	simm.s32 $0xFFFFFFFF;
	p2 =	slt.u32 s8, $0xFFFFF086  }
0x1c: {  	p1 =	slt.u32 s9, $0xF7A;
	s5 =	simm.s32 @!p2 $0x0  }
0x1d: {  	s5 =	simm.s32 @p1 $0x1;
	p0 =	seq.s32 s7, s2  }
0x1e: {  	s7 =	smul.u32 @!p0 $0xF7A, s2;
	p2 =	seq.s32 @!p0 s5, $0x0  }
0x1f: {  	s9 =	smul.u32 $0xF7A, s1;
	s8 =	simm.s32 @!p0 $0x1BF5;
	p2 =	por !p2, p0  }
0x20: {  	[sflag:s8] =	ssyncset.s32 @!p0 $0xFFFFF086;
	s6 =	sadd.s32 @!p0 s3, s7;
	s7 =	simm.s32 @!p0 $0x108  }
0x21: {  	s3 =	sadd.s32 s3, s9;
	s6 =	sadd.s32 @!p0 $0x88, s6;
	s7 =	simm.s32 @p2 $0x1082  }
0x22: {  	[simem:s7], [sflag:s8] =	dma.local @!p0 [hbm:s6], $0xF7A  }
0x23: {  	s9 =	sor.u32 $0xD0000000, s2;
	s6 =	simm.s32 $0x108;
	_ =	swait.ge @!p0 [sflag:s8], $0x0  }
0x24: {  	s3 =	sadd.s32 $0x88, s3;
	s6 =	simm.s32 @!p1 $0x1082;
	[sflag:s4] =	ssyncset.s32 $0xFFFFF086  }
0x25: {  	[simem:s6], [sflag:s4] =	dma.local [hbm:s3], $0xF7A  }
0x26: {  	[smem:$0x3F9F] =	sst s1;
	(tag) =	ssettag s2;
	_ =	strace s9  }
0x27: {  	s1 =	sld [smem:$0x3FAF]  }
0x28: {  	s2 =	sld [smem:$0x3FB0]  }
0x29: {  	s4 =	sld [smem:$0x3FB2]  }
0x2a: {  	p0 =	seq.s32 s5, $0x0;
	s5 =	sld [smem:$0x3FB3]  }
0x2b: {  	s6 =	sld [smem:$0x3FB4]  }
0x2c: {  	s7 =	sld [smem:$0x3FB5]  }
0x2d: {  	s3 =	simm.s32 $0x108;
	s8 =	sld [smem:$0x3FB6]  }
0x2e: {  	s3 =	simm.s32 @!p0 $0x1082;
	s9 =	sld [smem:$0x3FB7]  }
0x2f: {  	lr =	sadd.s32 s0, s3;
	s0 =	sld [smem:$0x3FAE]  }
0x30: {  	s3 =	sld [smem:$0x3FB1]  }
0x31: {  	[smem:$0x3FBA] =	sst s10  }
0x32: {  	s10 =	sld [smem:$0x3FB8];
	_ =	sdelay $0x3  }
0x33: {  	p0 =	seq.s32 s10, $0x1;
	s10 =	sld [smem:$0x3FBA];
	_ =	sdelay $0x3  }
0x34: {  	[smem:$0x3FBA] =	sst s10  }
0x35: {  	s10 =	sld [smem:$0x3FB9];
	_ =	sdelay $0x3  }
0x36: {  	p1 =	seq.s32 s10, $0x1;
	s10 =	sld [smem:$0x3FBA];
	_ =	sdelay $0x3  }
0x37: {  	[smem:$0x3FBA] =	sst s10  }
0x38: {  	s10 =	sld [smem:$0x3FBB]  }
0x39: {  	_ = 	snop;
	(pc) =	sbr.ind lr, $3  }
0x3a: {  	_ = 	snop  }
0x3b: {  	_ = 	snop  }
0x3c: {  	p2 =	seq.s32 s10, $0x1;
	s10 =	sld [smem:$0x3FBA]  }
0x3d: {  	_ =	shalt  }
0x3e: {  	_ =	shalt  }
0x3f: {  	_ =	shalt  }
0x40: {  	_ =	shalt  }
0x41: {  	_ =	shalt  }
0x42: {  	_ =	shalt  }
0x43: {  	_ =	shalt  }
0x44: {  	_ =	shalt  }
0x45: {  	_ =	shalt  }
0x46: {  	_ =	shalt  }
0x47: {  	_ =	shalt  }
0x48: {  	_ =	shalt  }
0x49: {  	_ =	shalt  }
0x4a: {  	_ =	shalt  }
0x4b: {  	_ =	shalt  }
0x4c: {  	_ =	shalt  }
0x4d: {  	_ =	shalt  }
0x4e: {  	_ =	shalt  }
0x4f: {  	_ =	shalt  }
0x50: {  	_ =	shalt  }
0x51: {  	_ =	shalt  }
0x52: {  	_ =	shalt  }
0x53: {  	_ =	shalt  }
0x54: {  	_ =	shalt  }
0x55: {  	_ =	shalt  }
0x56: {  	_ =	shalt  }
0x57: {  	_ =	shalt  }
0x58: {  	_ =	shalt  }
0x59: {  	_ =	shalt  }
0x5a: {  	_ =	shalt  }
0x5b: {  	_ =	shalt  }
0x5c: {  	_ =	shalt  }
0x5d: {  	_ =	shalt  }
0x5e: {  	_ =	shalt  }
0x5f: {  	_ =	shalt  }
0x60: {  	_ =	shalt  }
0x61: {  	_ =	shalt  }
0x62: {  	_ =	shalt  }
0x63: {  	_ =	shalt  }
0x64: {  	_ =	shalt  }
0x65: {  	_ =	shalt  }
0x66: {  	_ =	shalt  }
0x67: {  	_ =	shalt  }
0x68: {  	_ =	shalt  }
0x69: {  	_ =	shalt  }
0x6a: {  	_ =	shalt  }
0x6b: {  	_ =	shalt  }
0x6c: {  	_ =	shalt  }
0x6d: {  	_ =	shalt  }
0x6e: {  	_ =	shalt  }
0x6f: {  	_ =	shalt  }
0x70: {  	_ =	shalt  }
0x71: {  	_ =	shalt  }
0x72: {  	_ =	shalt  }
0x73: {  	_ =	shalt  }
0x74: {  	_ =	shalt  }
0x75: {  	_ =	shalt  }
0x76: {  	_ =	shalt  }
0x77: {  	_ =	shalt  }
0x78: {  	_ =	shalt  }
0x79: {  	_ =	shalt  }
0x7a: {  	_ =	shalt  }
0x7b: {  	_ =	shalt  }
0x7c: {  	_ =	shalt  }
0x7d: {  	_ =	shalt  }
0x7e: {  	_ =	shalt  }
0x7f: {  	_ =	shalt  }
0x80: {  	_ =	shalt  }
0x81: {  	_ =	shalt  }
0x82: {  	_ =	shalt  }
0x83: {  	_ =	shalt  }
0x84: {  	_ =	shalt  }
0x85: {  	_ =	shalt  }
0x86: {  	_ =	shalt  }
0x87: {  	_ =	shalt  }
.Lfunc_end0:
.L_simem_size_0:
called_computation.1_lowered:
.L_overlay_start_0:
0x88: {  	s2 =	sld [smem:$0x3FD9]  }
0x89: {  	s3 =	sld [smem:$0x3FFE];
	_ =	sdelay $0x1  }
0x8a: {  	s1 =	srdreg.scid  }
0x8b: {  	s0 =	sand.u32 $0x1, s1  }
0x8c: {  	s17 =	sshll.u32 s0, $0xA;
	s2 =	sadd.s32 s3, s2  }
0x8d: {  	s2 =	sadd.s32 s2, s17  }
0x8e: {  	[smem:$0x3FC6] =	sst s2  }
0x8f: {  	_ = 	snop  }
0x90: {  	s2 =	sld [smem:$0x3FD0];
	(tm) =	ssettm $0x1  }
0x91: {  	s18 =	sld [smem:$0x3FFB];
	_ =	sdelay $0x3  }
0x92: {  	_ =	strace s18  }
0x93: {  	s3 =	sld [smem:$0x3FFC];
	_ =	sdelay $0x3  }
0x94: {  	_ =	strace s3  }
0x95: {  	s3 =	sld [smem:$0x3FFD];
	_ =	sdelay $0x3  }
0x96: {  	_ =	strace s3  }
0x97: {  	_ =	strace $0x8FFFFFFF  }
0x98: {  	s19 =	sld [smem:$0x3FDB];
	_ =	sdelay $0x1  }
0x99: {  	s4 =	simm.s32 $_scs_section_size  }
0x9a: {  	s5 =	simm.s32 $_size__tile_overlayer_lowered;
	s6 =	simm.s32 $_tile_overlayer_lowered  }
0x9b: {  	s22 =	simm.s32 $0x1BFF;
	s21 =	sshll.u32 s6, $0x1;
	s3 =	sadd.s32 s4, s19  }
0x9c: {  	s7 =	simm.s32 $0x0;
	s20 =	sshll.u32 s5, $0x1;
	s5 =	sadd.s32 s21, s3  }
0x9d: {  	[timem:s7], [sflag:s22] =	dma.local [hbm:s5], s20  }
0x9e: {  	_ =	swait.ge [sflag:s22], s20  }
0x9f: {  	s4 =	ssub.s32 $0x0, s20;
	[sflag:s22] =	ssyncset.done $0x0  }
0xa0: {  	[sflag:s22] =	ssyncadd.s32 s4;
	_ =	sdelay $0x1  }
0xa1: {  	s23 =	simm.s32 $0x1B8B  }
0xa2: {  	_ =	swait.ge [sflag:s23], $0x1  }
0xa3: {  	[sflag:s23] =	ssyncset.done $0x0  }
0xa4: {  	s25 =	simm.s32 $0x1B8E;
	s24 =	sld [smem:$0x3FFE];
	[sflag:s23] =	ssyncadd.s32 $0xFFFFFFFF  }
0xa5: {  	s26 =	simm.s32 $execute0_lowered;
	[smem:$0x3FD2] =	sst s25  }
0xa6: {  	s5 =	sshll.u32 s26, $0x1;
	_ =	strace $0x80000046;
	[dreg:$0x1] =	wrdreg $0xFFFFFFFF  }
0xa7: {  	s28 =	simm.s32 $_size_execute0_lowered;
	s3 =	sadd.s32 s3, s5;
	[dreg:$0x0] =	wrdreg $0x0  }
0xa8: {  	s5 =	sshll.u32 s28, $0x1;
	[dreg:$0x2] =	wrdreg s3  }
0xa9: {  	[dreg:$0x3] =	wrdreg s5  }
0xaa: {  	[dreg:$0x4] =	wrdreg $0xC0  }
0xab: {  	_ =	task [dreg:s7], $0x5FFFF  }
0xac: {  	[dreg:$0x1] =	wrdreg $0xFFFFFFFF  }
0xad: {  	[dreg:$0x0] =	wrdreg $0x60  }
0xae: {  	[dreg:$0x2] =	wrdreg s24  }
0xaf: {  	[dreg:$0x3] =	wrdreg s2  }
0xb0: {  	[dreg:$0x4] =	wrdreg $0x9  }
0xb1: {  	_ =	task.clear_ibuf [dreg:s7], $0x5FFFF;
	_ =	strace $0x90000046  }
0xb2: {  	s29 =	simm.s32 $0x9;
	_ =	strace $0x80000048  }
0xb3: {  	_ =	swait.ge [sflag:s29], $0x1  }
0xb4: {  	[sflag:s29] =	ssyncadd.s32 $0xFFFFFFFF  }
0xb5: {  	_ =	strace $0x90000048  }
0xb6: {  	_ =	sfence  }
0xb7: {  	s30 =	sld [smem:$0x0];
	_ =	sdelay $0x2  }
0xb8: {  	s31 =	sshll.u32 s1, $0xD;
	s1 =	sshrl.u32 s1, $0x2  }
0xb9: {  	s3 =	sand.u32 $0x4000, s31;
	s1 =	sadd.s32 s1, s30  }
0xba: {  	s0 =	sor.u32 s3, s0;
	s1 =	sshll.u32 s1, $0x11  }
0xbb: {  	s0 =	sor.u32 s1, s0  }
0xbc: {  	s0 =	sadd.s32 $0x8F2B, s0  }
0xbd: {  	[sflag:s0] =	ssyncadd.remote.s32 $0x1  }
0xbe: {  	_ =	sfence.sel $0xFFFF  }
0xbf: {  	[dreg:$0x0] =	wrdreg $0xFFFFFFFF;
	(pc) =	sbr.abs _section_cstart, $3  }
0xc0: {  	[dreg:$0x1] =	wrdreg $0xFFFFFFFF  }
0xc1: {  	_ =	task.clear_ibuf [dreg:s7], $0x2FFFF;
	_ =	strace $0x9FFFFFFF  }
0xc2: {  	(tm) =	ssettm $0x7FFFFFFF  }
0xc3: {  	_ =	shalt  }
tec
execute0_lowered:
.L_overlay_start_1:
0x0: {  	(tag) =	ssettag $0x1  }
0x1: {  	s1 =	rddreg [dreg:$0x0]  }
0x2: {  	s4 =	rddreg [dreg:$0x1];
	s2 =	simm.s32 $0x0  }
0x3: {  	s16 =	simm.s32 $0x14480;
	[smem:$0x7FF] =	sst s2  }
0x4: {  	s17 =	simm.s32 $0x15100;
	_ =	strace $0x80000047;
	[dreg:$0x3] =	wrdreg s16  }
0x5: {  	s18 =	simm.s32 $0x15D80;
	[dreg:$0x4] =	wrdreg s17  }
0x6: {  	s19 =	simm.s32 $0x16A00;
	[dreg:$0x5] =	wrdreg s18  }
0x7: {  	s20 =	simm.s32 $0x17680;
	[dreg:$0x6] =	wrdreg s19  }
0x8: {  	s21 =	simm.s32 $0x18300;
	[dreg:$0x7] =	wrdreg s20  }
0x9: {  	s0 =	srdreg.scid;
	s22 =	simm.s32 $0x18F80;
	[dreg:$0x8] =	wrdreg s21  }
0xa: {  	s7 =	stileid.u32;
	s23 =	simm.s32 $0x19C00;
	[dreg:$0x9] =	wrdreg s22  }
0xb: {  	s9 =	simm.s32 $0x7000;
	s24 =	simm.s32 $0x1A880;
	[dreg:$0xa] =	wrdreg s23  }
0xc: {  	s25 =	simm.s32 $0x1B500;
	s26 =	simm.s32 $0x1C180;
	[dreg:$0xb] =	wrdreg s24  }
0xd: {  	s28 =	simm.s32 $0x1CE00;
	s29 =	simm.s32 $0x1DA80;
	[dreg:$0xc] =	wrdreg s25  }
0xe: {  	s30 =	simm.s32 $0x1E700;
	s31 =	simm.s32 $0x1F380;
	[dreg:$0xd] =	wrdreg s26  }
0xf: {  	s0 =	sand.u32 $0x1, s0;
	s3 =	sshll.u32 s7, $0xA;
	[dreg:$0xe] =	wrdreg s28  }
0x10: {  	s7 =	smul.u32 $0x64000, s7;
	s5 =	sshll.u32 s0, $0x9;
	[dreg:$0xf] =	wrdreg s29  }
0x11: {  	s6 =	ssub.s32 $0x2, s0;
	s0 =	smul.u32 $0x32000, s0;
	[dreg:$0x10] =	wrdreg s30  }
0x12: {  	[dreg:$0x11] =	wrdreg s31;
	s17 =	simm.s32 $0x13800;
	s18 =	simm.s32 $0x1  }
0x13: {  	s19 =	simm.s32 $0x2;
	s20 =	simm.s32 $0x3;
	s3 =	sor.u32 s5, s3  }
0x14: {  	s21 =	simm.s32 $0x4;
	s8 =	sshrl.u32 s6, $0x1;
	s5 =	smul.u32 $0x7, s3  }
0x15: {  	s22 =	simm.s32 $0x0;
	s14 =	sadd.s32 s7, s4;
	s13 =	ssub.s32 s6, s8  }
0x16: {  	s3 =	sadd.s32 $0xF42E00, s1;
	s15 =	smax.u32 s13, $0x1;
	s1 =	sadd.s32 s5, s1  }
0x17: {  	s7 =	simm.s32 $0x5;
	[dreg:$0x13] =	wrdreg s15;
	s1 =	sadd.s32 $0xA00, s1  }
0x18: {  	s6 =	sadd.s32 s0, s14;
	s8 =	simm.s32 $0x32;
	[dreg:$0x12] =	wrdreg s1  }
.LBB2_1:
0x19: {  	s0 =	rddreg [dreg:$0x12]  }
0x1a: {  	[tilespmem:s2], [sflag:$0x5] =	stream.linear.gather [hbm4b:s0+s2], $0x7000, $0x38;
	v63 =	vld [tilespmem:$0x0]  }
0x1b: {  	_ =	swait.ge [sflag:s7], $0x7000  }
0x1c: {  	[sflag:s7] =	ssyncset.done $0x0  }
0x1d: {  	[sflag:s7] =	ssyncadd.s32 $0xFFFF9000  }
0x1e: {  	[tilespmem:s9], [sflag:$0x1] =	stream.indirect.gather [hbm4b:s3+s8], $0x40, s2, s8, $0xb8;
	v63 =	vld [tilespmem:$0x0]  }
0x1f: {  	s4 =	simm.s32 $0x38;
	s1 =	simm.s32 $0x7C80  }
0x20: {  	[tilespmem:s1], [sflag:$0x1] =	stream.indirect.gather [hbm4b:s3+s8], $0x40, s4, s8, $0xb8;
	v63 =	vld [tilespmem:$0x0]  }
0x21: {  	s5 =	simm.s32 $0x70;
	s10 =	simm.s32 $0x8900  }
0x22: {  	[tilespmem:s10], [sflag:$0x1] =	stream.indirect.gather [hbm4b:s3+s8], $0x40, s5, s8, $0xb8;
	v63 =	vld [tilespmem:$0x0]  }
0x23: {  	s11 =	simm.s32 $0xA8;
	s12 =	simm.s32 $0x9580  }
0x24: {  	[tilespmem:s12], [sflag:$0x1] =	stream.indirect.gather [hbm4b:s3+s8], $0x40, s11, s8, $0xb8;
	v63 =	vld [tilespmem:$0x0]  }
0x25: {  	s13 =	simm.s32 $0xE0;
	s14 =	simm.s32 $0xA200  }
0x26: {  	[tilespmem:s14], [sflag:$0x1] =	stream.indirect.gather [hbm4b:s3+s8], $0x40, s13, s8, $0xb8;
	v63 =	vld [tilespmem:$0x0]  }
0x27: {  	s15 =	simm.s32 $0x118;
	s16 =	simm.s32 $0xAE80  }
0x28: {  	[tilespmem:s16], [sflag:$0x1] =	stream.indirect.gather [hbm4b:s3+s8], $0x40, s15, s8, $0xb8;
	v63 =	vld [tilespmem:$0x0]  }
0x29: {  	s23 =	simm.s32 $0x150;
	s24 =	simm.s32 $0xBB00  }
0x2a: {  	[tilespmem:s24], [sflag:$0x1] =	stream.indirect.gather [hbm4b:s3+s8], $0x40, s23, s8, $0xb8;
	v63 =	vld [tilespmem:$0x0]  }
0x2b: {  	s25 =	simm.s32 $0x188;
	s26 =	simm.s32 $0xC780  }
0x2c: {  	[tilespmem:s26], [sflag:$0x1] =	stream.indirect.gather [hbm4b:s3+s8], $0x40, s25, s8, $0xb8;
	v63 =	vld [tilespmem:$0x0]  }
0x2d: {  	s30 =	simm.s32 $0x1C0;
	s31 =	simm.s32 $0xD400  }
0x2e: {  	[tilespmem:s31], [sflag:$0x1] =	stream.indirect.gather [hbm4b:s3+s8], $0x40, s30, s8, $0xb8;
	v63 =	vld [tilespmem:$0x0]  }
0x2f: {  	s4 =	simm.s32 $0x1F8;
	s5 =	simm.s32 $0xE080  }
0x30: {  	[tilespmem:s5], [sflag:$0x1] =	stream.indirect.gather [hbm4b:s3+s8], $0x40, s4, s8, $0xb8;
	v63 =	vld [tilespmem:$0x0]  }
0x31: {  	s10 =	simm.s32 $0x230;
	s11 =	simm.s32 $0xED00  }
0x32: {  	[tilespmem:s11], [sflag:$0x1] =	stream.indirect.gather [hbm4b:s3+s8], $0x40, s10, s8, $0xb8;
	v63 =	vld [tilespmem:$0x0]  }
0x33: {  	s12 =	simm.s32 $0x268;
	s13 =	simm.s32 $0xF980  }
0x34: {  	[tilespmem:s13], [sflag:$0x1] =	stream.indirect.gather [hbm4b:s3+s8], $0x40, s12, s8, $0xb8;
	v63 =	vld [tilespmem:$0x0]  }
0x35: {  	s14 =	simm.s32 $0x2A0;
	s15 =	simm.s32 $0x10600  }
0x36: {  	[tilespmem:s15], [sflag:$0x1] =	stream.indirect.gather [hbm4b:s3+s8], $0x40, s14, s8, $0xb8;
	v63 =	vld [tilespmem:$0x0]  }
0x37: {  	s16 =	simm.s32 $0x2D8;
	s23 =	simm.s32 $0x11280  }
0x38: {  	[tilespmem:s23], [sflag:$0x1] =	stream.indirect.gather [hbm4b:s3+s8], $0x40, s16, s8, $0xb8;
	v63 =	vld [tilespmem:$0x0]  }
0x39: {  	p0 =	por $0x1, $0x1;
	s24 =	simm.s32 $0x310;
	s25 =	simm.s32 $0x11F00  }
0x3a: {  	[tilespmem:s25], [sflag:$0x1] =	stream.indirect.gather [hbm4b:s3+s8], $0x40, s24, s8, $0xb8;
	v63 =	vld [tilespmem:$0x0]  }
0x3b: {  	s26 =	simm.s32 $0x348;
	s30 =	simm.s32 $0x12B80;
	s23 =	simm.s32 @!p0 $0x4  }
0x3c: {  	[tilespmem:s30], [sflag:$0x1] =	stream.indirect.gather [hbm4b:s3+s8], $0x40, s26, s8, $0xb8;
	v63 =	vld [tilespmem:$0x0]  }
0x3d: {  	_ =	swait.ge @!p0 [sflag:s23], $0xC800  }
0x3e: {  	[sflag:s23] =	ssyncset.done @!p0 $0x0  }
0x3f: {  	s24 =	simm.s32 $0x380;
	[sflag:s23] =	ssyncadd.s32 @!p0 $0xFFFF3800  }
0x40: {  	[tilespmem:s17], [sflag:$0x2] =	stream.indirect.gather [hbm4b:s3+s8], $0x40, s24, s8, $0xb8;
	v63 =	vld [tilespmem:$0x0]  }
0x41: {  	s31 =	simm.s32 $0x3B8;
	s25 =	rddreg [dreg:$0x3]  }
0x42: {  	[tilespmem:s25], [sflag:$0x2] =	stream.indirect.gather [hbm4b:s3+s8], $0x40, s31, s8, $0xb8;
	v63 =	vld [tilespmem:$0x0]  }
0x43: {  	s1 =	simm.s32 $0x3F0;
	s0 =	rddreg [dreg:$0x4]  }
0x44: {  	[tilespmem:s0], [sflag:$0x2] =	stream.indirect.gather [hbm4b:s3+s8], $0x40, s1, s8, $0xb8;
	v63 =	vld [tilespmem:$0x0]  }
0x45: {  	s5 =	simm.s32 $0x428;
	s4 =	rddreg [dreg:$0x5]  }
0x46: {  	[tilespmem:s4], [sflag:$0x2] =	stream.indirect.gather [hbm4b:s3+s8], $0x40, s5, s8, $0xb8;
	v63 =	vld [tilespmem:$0x0]  }
0x47: {  	s11 =	simm.s32 $0x460;
	s10 =	rddreg [dreg:$0x6]  }
0x48: {  	[tilespmem:s10], [sflag:$0x2] =	stream.indirect.gather [hbm4b:s3+s8], $0x40, s11, s8, $0xb8;
	v63 =	vld [tilespmem:$0x0]  }
0x49: {  	s13 =	simm.s32 $0x498;
	s12 =	rddreg [dreg:$0x7]  }
0x4a: {  	[tilespmem:s12], [sflag:$0x2] =	stream.indirect.gather [hbm4b:s3+s8], $0x40, s13, s8, $0xb8;
	v63 =	vld [tilespmem:$0x0]  }
0x4b: {  	s15 =	simm.s32 $0x4D0;
	s14 =	rddreg [dreg:$0x8]  }
0x4c: {  	[tilespmem:s14], [sflag:$0x2] =	stream.indirect.gather [hbm4b:s3+s8], $0x40, s15, s8, $0xb8;
	v63 =	vld [tilespmem:$0x0]  }
0x4d: {  	s26 =	simm.s32 $0x508;
	s16 =	rddreg [dreg:$0x9]  }
0x4e: {  	[tilespmem:s16], [sflag:$0x2] =	stream.indirect.gather [hbm4b:s3+s8], $0x40, s26, s8, $0xb8;
	v63 =	vld [tilespmem:$0x0]  }
0x4f: {  	s30 =	rddreg [dreg:$0xa];
	s31 =	simm.s32 $0x540  }
0x50: {  	[tilespmem:s30], [sflag:$0x2] =	stream.indirect.gather [hbm4b:s3+s8], $0x40, s31, s8, $0xb8;
	v63 =	vld [tilespmem:$0x0]  }
0x51: {  	s0 =	rddreg [dreg:$0xb];
	s1 =	simm.s32 $0x578  }
0x52: {  	[tilespmem:s0], [sflag:$0x2] =	stream.indirect.gather [hbm4b:s3+s8], $0x40, s1, s8, $0xb8;
	v63 =	vld [tilespmem:$0x0]  }
0x53: {  	s4 =	rddreg [dreg:$0xc];
	s5 =	simm.s32 $0x5B0  }
0x54: {  	[tilespmem:s4], [sflag:$0x2] =	stream.indirect.gather [hbm4b:s3+s8], $0x40, s5, s8, $0xb8;
	v63 =	vld [tilespmem:$0x0]  }
0x55: {  	s10 =	rddreg [dreg:$0xd];
	s11 =	simm.s32 $0x5E8  }
0x56: {  	[tilespmem:s10], [sflag:$0x2] =	stream.indirect.gather [hbm4b:s3+s8], $0x40, s11, s8, $0xb8;
	v63 =	vld [tilespmem:$0x0]  }
0x57: {  	s12 =	rddreg [dreg:$0xe];
	s13 =	simm.s32 $0x620  }
0x58: {  	[tilespmem:s12], [sflag:$0x2] =	stream.indirect.gather [hbm4b:s3+s8], $0x40, s13, s8, $0xb8;
	v63 =	vld [tilespmem:$0x0]  }
0x59: {  	s14 =	rddreg [dreg:$0xf];
	s15 =	simm.s32 $0x658  }
0x5a: {  	[tilespmem:s14], [sflag:$0x2] =	stream.indirect.gather [hbm4b:s3+s8], $0x40, s15, s8, $0xb8;
	v63 =	vld [tilespmem:$0x0]  }
0x5b: {  	s16 =	rddreg [dreg:$0x10];
	s26 =	simm.s32 $0x690  }
0x5c: {  	[tilespmem:s16], [sflag:$0x2] =	stream.indirect.gather [hbm4b:s3+s8], $0x40, s26, s8, $0xb8;
	v63 =	vld [tilespmem:$0x0]  }
0x5d: {  	s30 =	rddreg [dreg:$0x11];
	s31 =	simm.s32 $0x6C8  }
0x5e: {  	[tilespmem:s30], [sflag:$0x2] =	stream.indirect.gather [hbm4b:s3+s8], $0x40, s31, s8, $0xb8;
	v63 =	vld [tilespmem:$0x0]  }
0x5f: {  	_ =	swait.ge [sflag:s18], $0xC80  }
0x60: {  	[sflag:s18] =	ssyncset.done $0x0  }
0x61: {  	[sflag:s18] =	ssyncadd.s32 $0xFFFFF380  }
0x62: {  	_ =	swait.ge [sflag:s18], $0xC80  }
0x63: {  	[sflag:s18] =	ssyncset.done $0x0  }
0x64: {  	[sflag:s18] =	ssyncadd.s32 $0xFFFFF380  }
0x65: {  	_ =	swait.ge [sflag:s18], $0xC80  }
0x66: {  	[sflag:s18] =	ssyncset.done $0x0  }
0x67: {  	[sflag:s18] =	ssyncadd.s32 $0xFFFFF380  }
0x68: {  	_ =	swait.ge [sflag:s18], $0xC80  }
0x69: {  	[sflag:s18] =	ssyncset.done $0x0  }
0x6a: {  	[sflag:s18] =	ssyncadd.s32 $0xFFFFF380  }
0x6b: {  	_ =	swait.ge [sflag:s18], $0xC80  }
0x6c: {  	[sflag:s18] =	ssyncset.done $0x0  }
0x6d: {  	[sflag:s18] =	ssyncadd.s32 $0xFFFFF380  }
0x6e: {  	_ =	swait.ge [sflag:s18], $0xC80  }
0x6f: {  	[sflag:s18] =	ssyncset.done $0x0  }
0x70: {  	[sflag:s18] =	ssyncadd.s32 $0xFFFFF380  }
0x71: {  	_ =	swait.ge [sflag:s18], $0xC80  }
0x72: {  	[sflag:s18] =	ssyncset.done $0x0  }
0x73: {  	[sflag:s18] =	ssyncadd.s32 $0xFFFFF380  }
0x74: {  	_ =	swait.ge [sflag:s18], $0xC80  }
0x75: {  	[sflag:s18] =	ssyncset.done $0x0  }
0x76: {  	[sflag:s18] =	ssyncadd.s32 $0xFFFFF380  }
0x77: {  	_ =	swait.ge [sflag:s18], $0xC80  }
0x78: {  	[sflag:s18] =	ssyncset.done $0x0  }
0x79: {  	[sflag:s18] =	ssyncadd.s32 $0xFFFFF380  }
0x7a: {  	_ =	swait.ge [sflag:s18], $0xC80  }
0x7b: {  	[sflag:s18] =	ssyncset.done $0x0  }
0x7c: {  	[sflag:s18] =	ssyncadd.s32 $0xFFFFF380  }
0x7d: {  	_ =	swait.ge [sflag:s18], $0xC80  }
0x7e: {  	[sflag:s18] =	ssyncset.done $0x0  }
0x7f: {  	[sflag:s18] =	ssyncadd.s32 $0xFFFFF380  }
0x80: {  	_ =	swait.ge [sflag:s18], $0xC80  }
0x81: {  	[sflag:s18] =	ssyncset.done $0x0  }
0x82: {  	[sflag:s18] =	ssyncadd.s32 $0xFFFFF380  }
0x83: {  	_ =	swait.ge [sflag:s18], $0xC80  }
0x84: {  	[sflag:s18] =	ssyncset.done $0x0  }
0x85: {  	[sflag:s18] =	ssyncadd.s32 $0xFFFFF380  }
0x86: {  	_ =	swait.ge [sflag:s18], $0xC80  }
0x87: {  	[sflag:s18] =	ssyncset.done $0x0  }
0x88: {  	[sflag:s18] =	ssyncadd.s32 $0xFFFFF380  }
0x89: {  	_ =	swait.ge [sflag:s18], $0xC80  }
0x8a: {  	[sflag:s18] =	ssyncset.done $0x0  }
0x8b: {  	[sflag:s18] =	ssyncadd.s32 $0xFFFFF380  }
0x8c: {  	_ =	swait.ge [sflag:s18], $0xC80  }
0x8d: {  	p0 =	por $0x0, $0x0;
	[sflag:s18] =	ssyncset.done $0x0  }
0x8e: {  	s23 =	simm.s32 @!p0 $0x3;
	[sflag:s18] =	ssyncadd.s32 $0xFFFFF380  }
0x8f: {  	[hbm4b:s6+s2] =	stream.linear.scatter [tilespmem:s9], [sflag:$0x3], $0xC800, $0x38;
	v63 =	vld [tilespmem:$0x0]  }
0x90: {  	_ =	swait.ge @!p0 [sflag:s23], $0xC800  }
0x91: {  	s24 =	simm.s32 @!p0 $0x700;
	[sflag:s23] =	ssyncset.done @!p0 $0x0  }
0x92: {  	s25 =	simm.s32 @!p0 $0x32;
	s26 =	simm.s32 @!p0 $0x7000;
	[sflag:s23] =	ssyncadd.s32 @!p0 $0xFFFF3800  }
0x93: {  	[tilespmem:s26], [sflag:$0x1] =	stream.indirect.gather @!p0 [hbm4b:s3+s25], $0x40, s24, s25, $0xb8;
	v63 =	vld [tilespmem:$0x0]  }
0x94: {  	s23 =	simm.s32 @!p0 $0x738;
	s24 =	simm.s32 @!p0 $0x7C80  }
0x95: {  	[tilespmem:s24], [sflag:$0x1] =	stream.indirect.gather @!p0 [hbm4b:s3+s25], $0x40, s23, s25, $0xb8;
	v63 =	vld [tilespmem:$0x0]  }
0x96: {  	s23 =	simm.s32 @!p0 $0x770;
	s24 =	simm.s32 @!p0 $0x8900  }
0x97: {  	[tilespmem:s24], [sflag:$0x1] =	stream.indirect.gather @!p0 [hbm4b:s3+s25], $0x40, s23, s25, $0xb8;
	v63 =	vld [tilespmem:$0x0]  }
0x98: {  	s23 =	simm.s32 @!p0 $0x7A8;
	s24 =	simm.s32 @!p0 $0x9580  }
0x99: {  	[tilespmem:s24], [sflag:$0x1] =	stream.indirect.gather @!p0 [hbm4b:s3+s25], $0x40, s23, s25, $0xb8;
	v63 =	vld [tilespmem:$0x0]  }
0x9a: {  	s23 =	simm.s32 @!p0 $0x7E0;
	s24 =	simm.s32 @!p0 $0xA200  }
0x9b: {  	[tilespmem:s24], [sflag:$0x1] =	stream.indirect.gather @!p0 [hbm4b:s3+s25], $0x40, s23, s25, $0xb8;
	v63 =	vld [tilespmem:$0x0]  }
0x9c: {  	s23 =	simm.s32 @!p0 $0x818;
	s24 =	simm.s32 @!p0 $0xAE80  }
0x9d: {  	[tilespmem:s24], [sflag:$0x1] =	stream.indirect.gather @!p0 [hbm4b:s3+s25], $0x40, s23, s25, $0xb8;
	v63 =	vld [tilespmem:$0x0]  }
0x9e: {  	s23 =	simm.s32 @!p0 $0x850;
	s24 =	simm.s32 @!p0 $0xBB00  }
0x9f: {  	[tilespmem:s24], [sflag:$0x1] =	stream.indirect.gather @!p0 [hbm4b:s3+s25], $0x40, s23, s25, $0xb8;
	v63 =	vld [tilespmem:$0x0]  }
0xa0: {  	s23 =	simm.s32 @!p0 $0x888;
	s24 =	simm.s32 @!p0 $0xC780  }
0xa1: {  	[tilespmem:s24], [sflag:$0x1] =	stream.indirect.gather @!p0 [hbm4b:s3+s25], $0x40, s23, s25, $0xb8;
	v63 =	vld [tilespmem:$0x0]  }
0xa2: {  	s23 =	simm.s32 @!p0 $0x8C0;
	s24 =	simm.s32 @!p0 $0xD400  }
0xa3: {  	[tilespmem:s24], [sflag:$0x1] =	stream.indirect.gather @!p0 [hbm4b:s3+s25], $0x40, s23, s25, $0xb8;
	v63 =	vld [tilespmem:$0x0]  }
0xa4: {  	s23 =	simm.s32 @!p0 $0x8F8;
	s24 =	simm.s32 @!p0 $0xE080  }
0xa5: {  	[tilespmem:s24], [sflag:$0x1] =	stream.indirect.gather @!p0 [hbm4b:s3+s25], $0x40, s23, s25, $0xb8;
	v63 =	vld [tilespmem:$0x0]  }
0xa6: {  	s23 =	simm.s32 @!p0 $0x930;
	s24 =	simm.s32 @!p0 $0xED00  }
0xa7: {  	[tilespmem:s24], [sflag:$0x1] =	stream.indirect.gather @!p0 [hbm4b:s3+s25], $0x40, s23, s25, $0xb8;
	v63 =	vld [tilespmem:$0x0]  }
0xa8: {  	s23 =	simm.s32 @!p0 $0x968;
	s24 =	simm.s32 @!p0 $0xF980  }
0xa9: {  	[tilespmem:s24], [sflag:$0x1] =	stream.indirect.gather @!p0 [hbm4b:s3+s25], $0x40, s23, s25, $0xb8;
	v63 =	vld [tilespmem:$0x0]  }
0xaa: {  	s23 =	simm.s32 @!p0 $0x9A0;
	s24 =	simm.s32 @!p0 $0x10600  }
0xab: {  	[tilespmem:s24], [sflag:$0x1] =	stream.indirect.gather @!p0 [hbm4b:s3+s25], $0x40, s23, s25, $0xb8;
	v63 =	vld [tilespmem:$0x0]  }
0xac: {  	s23 =	simm.s32 @!p0 $0x9D8;
	s24 =	simm.s32 @!p0 $0x11280  }
0xad: {  	[tilespmem:s24], [sflag:$0x1] =	stream.indirect.gather @!p0 [hbm4b:s3+s25], $0x40, s23, s25, $0xb8;
	v63 =	vld [tilespmem:$0x0]  }
0xae: {  	s23 =	simm.s32 @!p0 $0xA10;
	s24 =	simm.s32 @!p0 $0x11F00  }
0xaf: {  	[tilespmem:s24], [sflag:$0x1] =	stream.indirect.gather @!p0 [hbm4b:s3+s25], $0x40, s23, s25, $0xb8;
	v63 =	vld [tilespmem:$0x0]  }
0xb0: {  	s23 =	simm.s32 @!p0 $0xA48;
	s24 =	simm.s32 @!p0 $0x12B80  }
0xb1: {  	[tilespmem:s24], [sflag:$0x1] =	stream.indirect.gather @!p0 [hbm4b:s3+s25], $0x40, s23, s25, $0xb8;
	v63 =	vld [tilespmem:$0x0]  }
0xb2: {  	_ =	swait.ge [sflag:s19], $0xC80  }
0xb3: {  	[sflag:s19] =	ssyncset.done $0x0  }
0xb4: {  	[sflag:s19] =	ssyncadd.s32 $0xFFFFF380  }
0xb5: {  	_ =	swait.ge [sflag:s19], $0xC80  }
0xb6: {  	[sflag:s19] =	ssyncset.done $0x0  }
0xb7: {  	[sflag:s19] =	ssyncadd.s32 $0xFFFFF380  }
0xb8: {  	_ =	swait.ge [sflag:s19], $0xC80  }
0xb9: {  	[sflag:s19] =	ssyncset.done $0x0  }
0xba: {  	[sflag:s19] =	ssyncadd.s32 $0xFFFFF380  }
0xbb: {  	_ =	swait.ge [sflag:s19], $0xC80  }
0xbc: {  	[sflag:s19] =	ssyncset.done $0x0  }
0xbd: {  	[sflag:s19] =	ssyncadd.s32 $0xFFFFF380  }
0xbe: {  	_ =	swait.ge [sflag:s19], $0xC80  }
0xbf: {  	[sflag:s19] =	ssyncset.done $0x0  }
0xc0: {  	[sflag:s19] =	ssyncadd.s32 $0xFFFFF380  }
0xc1: {  	_ =	swait.ge [sflag:s19], $0xC80  }
0xc2: {  	[sflag:s19] =	ssyncset.done $0x0  }
0xc3: {  	[sflag:s19] =	ssyncadd.s32 $0xFFFFF380  }
0xc4: {  	_ =	swait.ge [sflag:s19], $0xC80  }
0xc5: {  	[sflag:s19] =	ssyncset.done $0x0  }
0xc6: {  	[sflag:s19] =	ssyncadd.s32 $0xFFFFF380  }
0xc7: {  	_ =	swait.ge [sflag:s19], $0xC80  }
0xc8: {  	[sflag:s19] =	ssyncset.done $0x0  }
0xc9: {  	[sflag:s19] =	ssyncadd.s32 $0xFFFFF380  }
0xca: {  	_ =	swait.ge [sflag:s19], $0xC80  }
0xcb: {  	[sflag:s19] =	ssyncset.done $0x0  }
0xcc: {  	[sflag:s19] =	ssyncadd.s32 $0xFFFFF380  }
0xcd: {  	_ =	swait.ge [sflag:s19], $0xC80  }
0xce: {  	[sflag:s19] =	ssyncset.done $0x0  }
0xcf: {  	[sflag:s19] =	ssyncadd.s32 $0xFFFFF380  }
0xd0: {  	_ =	swait.ge [sflag:s19], $0xC80  }
0xd1: {  	[sflag:s19] =	ssyncset.done $0x0  }
0xd2: {  	[sflag:s19] =	ssyncadd.s32 $0xFFFFF380  }
0xd3: {  	_ =	swait.ge [sflag:s19], $0xC80  }
0xd4: {  	[sflag:s19] =	ssyncset.done $0x0  }
0xd5: {  	[sflag:s19] =	ssyncadd.s32 $0xFFFFF380  }
0xd6: {  	_ =	swait.ge [sflag:s19], $0xC80  }
0xd7: {  	[sflag:s19] =	ssyncset.done $0x0  }
0xd8: {  	[sflag:s19] =	ssyncadd.s32 $0xFFFFF380  }
0xd9: {  	_ =	swait.ge [sflag:s19], $0xC80  }
0xda: {  	[sflag:s19] =	ssyncset.done $0x0  }
0xdb: {  	[sflag:s19] =	ssyncadd.s32 $0xFFFFF380  }
0xdc: {  	s28 =	simm.s32 $0x3800;
	_ =	swait.ge [sflag:s19], $0xC80  }
0xdd: {  	p1 =	por $0x0, $0x0;
	s26 =	sadd.s32 $0x1900, s6;
	[sflag:s19] =	ssyncset.done $0x0  }
0xde: {  	s24 =	simm.s32 $0x1C00;
	s25 =	sadd.s32 $0x3200, s6;
	[sflag:s19] =	ssyncadd.s32 $0xFFFFF380  }
0xdf: {  	s23 =	sadd.s32 $0x1900, s25;
	s29 =	sadd.s32 $0x3200, s25;
	_ =	swait.ge [sflag:s19], $0xC80  }
.LBB2_2:
0xe0: {  	[sflag:s19] =	ssyncset.done $0x0  }
0xe1: {  	s1 =	simm.s32 @!p1 $0x4;
	[sflag:s19] =	ssyncadd.s32 $0xFFFFF380  }
0xe2: {  	[hbm4b:s26+s2] =	stream.linear.scatter [tilespmem:s17], [sflag:$0x4], $0xC800, $0x38;
	v63 =	vld [tilespmem:$0x0]  }
0xe3: {  	_ =	swait.ge @!p1 [sflag:s1], $0xC800  }
0xe4: {  	s31 =	sshra.s32 s24, $0x2;
	[sflag:s1] =	ssyncset.done @!p1 $0x0  }
0xe5: {  	s10 =	sadd.s32 $0x380, s31;
	[sflag:s1] =	ssyncadd.s32 @!p1 $0xFFFF3800  }
0xe6: {  	[tilespmem:s17], [sflag:$0x2] =	stream.indirect.gather [hbm4b:s3+s8], $0x40, s10, s8, $0xb8;
	v63 =	vld [tilespmem:$0x0]  }
0xe7: {  	s13 =	sadd.s32 $0x3B8, s31;
	s11 =	rddreg [dreg:$0x3]  }
0xe8: {  	[tilespmem:s11], [sflag:$0x2] =	stream.indirect.gather [hbm4b:s3+s8], $0x40, s13, s8, $0xb8;
	v63 =	vld [tilespmem:$0x0]  }
0xe9: {  	s15 =	sadd.s32 $0x3F0, s31;
	s14 =	rddreg [dreg:$0x4]  }
0xea: {  	[tilespmem:s14], [sflag:$0x2] =	stream.indirect.gather [hbm4b:s3+s8], $0x40, s15, s8, $0xb8;
	v63 =	vld [tilespmem:$0x0]  }
0xeb: {  	s4 =	sadd.s32 $0x428, s31;
	s16 =	rddreg [dreg:$0x5]  }
0xec: {  	[tilespmem:s16], [sflag:$0x2] =	stream.indirect.gather [hbm4b:s3+s8], $0x40, s4, s8, $0xb8;
	v63 =	vld [tilespmem:$0x0]  }
0xed: {  	s5 =	rddreg [dreg:$0x6];
	s11 =	sadd.s32 $0x460, s31  }
0xee: {  	[tilespmem:s5], [sflag:$0x2] =	stream.indirect.gather [hbm4b:s3+s8], $0x40, s11, s8, $0xb8;
	v63 =	vld [tilespmem:$0x0]  }
0xef: {  	s12 =	rddreg [dreg:$0x7];
	s13 =	sadd.s32 $0x498, s31  }
0xf0: {  	[tilespmem:s12], [sflag:$0x2] =	stream.indirect.gather [hbm4b:s3+s8], $0x40, s13, s8, $0xb8;
	v63 =	vld [tilespmem:$0x0]  }
0xf1: {  	s14 =	rddreg [dreg:$0x8];
	s15 =	sadd.s32 $0x4D0, s31  }
0xf2: {  	[tilespmem:s14], [sflag:$0x2] =	stream.indirect.gather [hbm4b:s3+s8], $0x40, s15, s8, $0xb8;
	v63 =	vld [tilespmem:$0x0]  }
0xf3: {  	s16 =	rddreg [dreg:$0x9];
	s4 =	sadd.s32 $0x508, s31  }
0xf4: {  	[tilespmem:s16], [sflag:$0x2] =	stream.indirect.gather [hbm4b:s3+s8], $0x40, s4, s8, $0xb8;
	v63 =	vld [tilespmem:$0x0]  }
0xf5: {  	s5 =	rddreg [dreg:$0xa];
	s11 =	sadd.s32 $0x540, s31  }
0xf6: {  	[tilespmem:s5], [sflag:$0x2] =	stream.indirect.gather [hbm4b:s3+s8], $0x40, s11, s8, $0xb8;
	v63 =	vld [tilespmem:$0x0]  }
0xf7: {  	s12 =	rddreg [dreg:$0xb];
	s13 =	sadd.s32 $0x578, s31  }
0xf8: {  	[tilespmem:s12], [sflag:$0x2] =	stream.indirect.gather [hbm4b:s3+s8], $0x40, s13, s8, $0xb8;
	v63 =	vld [tilespmem:$0x0]  }
0xf9: {  	s14 =	rddreg [dreg:$0xc];
	s15 =	sadd.s32 $0x5B0, s31  }
0xfa: {  	[tilespmem:s14], [sflag:$0x2] =	stream.indirect.gather [hbm4b:s3+s8], $0x40, s15, s8, $0xb8;
	v63 =	vld [tilespmem:$0x0]  }
0xfb: {  	s16 =	rddreg [dreg:$0xd];
	s4 =	sadd.s32 $0x5E8, s31  }
0xfc: {  	[tilespmem:s16], [sflag:$0x2] =	stream.indirect.gather [hbm4b:s3+s8], $0x40, s4, s8, $0xb8;
	v63 =	vld [tilespmem:$0x0]  }
0xfd: {  	s5 =	rddreg [dreg:$0xe];
	s11 =	sadd.s32 $0x620, s31  }
0xfe: {  	[tilespmem:s5], [sflag:$0x2] =	stream.indirect.gather [hbm4b:s3+s8], $0x40, s11, s8, $0xb8;
	v63 =	vld [tilespmem:$0x0]  }
0xff: {  	s12 =	rddreg [dreg:$0xf];
	s13 =	sadd.s32 $0x658, s31  }
0x100: {  	[tilespmem:s12], [sflag:$0x2] =	stream.indirect.gather [hbm4b:s3+s8], $0x40, s13, s8, $0xb8;
	v63 =	vld [tilespmem:$0x0]  }
0x101: {  	s14 =	rddreg [dreg:$0x10];
	s15 =	sadd.s32 $0x690, s31  }
0x102: {  	[tilespmem:s14], [sflag:$0x2] =	stream.indirect.gather [hbm4b:s3+s8], $0x40, s15, s8, $0xb8;
	v63 =	vld [tilespmem:$0x0]  }
0x103: {  	s31 =	sadd.s32 $0x6C8, s31;
	s16 =	rddreg [dreg:$0x11]  }
0x104: {  	[tilespmem:s16], [sflag:$0x2] =	stream.indirect.gather [hbm4b:s3+s8], $0x40, s31, s8, $0xb8;
	v63 =	vld [tilespmem:$0x0]  }
0x105: {  	_ =	swait.ge [sflag:s18], $0xC80  }
0x106: {  	[sflag:s18] =	ssyncset.done $0x0  }
0x107: {  	[sflag:s18] =	ssyncadd.s32 $0xFFFFF380  }
0x108: {  	_ =	swait.ge [sflag:s18], $0xC80  }
0x109: {  	[sflag:s18] =	ssyncset.done $0x0  }
0x10a: {  	[sflag:s18] =	ssyncadd.s32 $0xFFFFF380  }
0x10b: {  	_ =	swait.ge [sflag:s18], $0xC80  }
0x10c: {  	[sflag:s18] =	ssyncset.done $0x0  }
0x10d: {  	[sflag:s18] =	ssyncadd.s32 $0xFFFFF380  }
0x10e: {  	_ =	swait.ge [sflag:s18], $0xC80  }
0x10f: {  	[sflag:s18] =	ssyncset.done $0x0  }
0x110: {  	[sflag:s18] =	ssyncadd.s32 $0xFFFFF380  }
0x111: {  	_ =	swait.ge [sflag:s18], $0xC80  }
0x112: {  	[sflag:s18] =	ssyncset.done $0x0  }
0x113: {  	[sflag:s18] =	ssyncadd.s32 $0xFFFFF380  }
0x114: {  	_ =	swait.ge [sflag:s18], $0xC80  }
0x115: {  	[sflag:s18] =	ssyncset.done $0x0  }
0x116: {  	[sflag:s18] =	ssyncadd.s32 $0xFFFFF380  }
0x117: {  	_ =	swait.ge [sflag:s18], $0xC80  }
0x118: {  	[sflag:s18] =	ssyncset.done $0x0  }
0x119: {  	[sflag:s18] =	ssyncadd.s32 $0xFFFFF380  }
0x11a: {  	_ =	swait.ge [sflag:s18], $0xC80  }
0x11b: {  	[sflag:s18] =	ssyncset.done $0x0  }
0x11c: {  	[sflag:s18] =	ssyncadd.s32 $0xFFFFF380  }
0x11d: {  	_ =	swait.ge [sflag:s18], $0xC80  }
0x11e: {  	[sflag:s18] =	ssyncset.done $0x0  }
0x11f: {  	[sflag:s18] =	ssyncadd.s32 $0xFFFFF380  }
0x120: {  	_ =	swait.ge [sflag:s18], $0xC80  }
0x121: {  	[sflag:s18] =	ssyncset.done $0x0  }
0x122: {  	[sflag:s18] =	ssyncadd.s32 $0xFFFFF380  }
0x123: {  	_ =	swait.ge [sflag:s18], $0xC80  }
0x124: {  	[sflag:s18] =	ssyncset.done $0x0  }
0x125: {  	[sflag:s18] =	ssyncadd.s32 $0xFFFFF380  }
0x126: {  	_ =	swait.ge [sflag:s18], $0xC80  }
0x127: {  	[sflag:s18] =	ssyncset.done $0x0  }
0x128: {  	[sflag:s18] =	ssyncadd.s32 $0xFFFFF380  }
0x129: {  	_ =	swait.ge [sflag:s18], $0xC80  }
0x12a: {  	[sflag:s18] =	ssyncset.done $0x0  }
0x12b: {  	[sflag:s18] =	ssyncadd.s32 $0xFFFFF380  }
0x12c: {  	_ =	swait.ge [sflag:s18], $0xC80  }
0x12d: {  	[sflag:s18] =	ssyncset.done $0x0  }
0x12e: {  	[sflag:s18] =	ssyncadd.s32 $0xFFFFF380  }
0x12f: {  	_ =	swait.ge [sflag:s18], $0xC80  }
0x130: {  	[sflag:s18] =	ssyncset.done $0x0  }
0x131: {  	[sflag:s18] =	ssyncadd.s32 $0xFFFFF380  }
0x132: {  	s0 =	sadd.s32 $0x1900, s29;
	_ =	swait.ge [sflag:s18], $0xC80  }
0x133: {  	s26 =	smov.u32 s23;
	p1 =	seq.s32 s24, $0x1A400;
	[sflag:s18] =	ssyncset.done $0x0  }
0x134: {  	s23 =	smov.u32 s0;
	s0 =	simm.s32 @!p1 $0x3;
	[sflag:s18] =	ssyncadd.s32 $0xFFFFF380  }
0x135: {  	[hbm4b:s25+s2] =	stream.linear.scatter [tilespmem:s9], [sflag:$0x3], $0xC800, $0x38;
	v63 =	vld [tilespmem:$0x0]  }
0x136: {  	_ =	swait.ge @!p1 [sflag:s0], $0xC800  }
0x137: {  	s1 =	sshra.s32 @!p1 s24, $0x2;
	s24 =	simm.s32 @!p1 $0x7000;
	[sflag:s0] =	ssyncset.done @!p1 $0x0  }
0x138: {  	s10 =	sadd.s32 @!p1 $0x700, s1;
	s31 =	simm.s32 @!p1 $0x32;
	[sflag:s0] =	ssyncadd.s32 @!p1 $0xFFFF3800  }
0x139: {  	[tilespmem:s24], [sflag:$0x1] =	stream.indirect.gather @!p1 [hbm4b:s3+s31], $0x40, s10, s31, $0xb8;
	v63 =	vld [tilespmem:$0x0]  }
0x13a: {  	s11 =	sadd.s32 @!p1 $0x738, s1;
	s0 =	simm.s32 @!p1 $0x7C80  }
0x13b: {  	[tilespmem:s0], [sflag:$0x1] =	stream.indirect.gather @!p1 [hbm4b:s3+s31], $0x40, s11, s31, $0xb8;
	v63 =	vld [tilespmem:$0x0]  }
0x13c: {  	s25 =	sadd.s32 @!p1 $0x770, s1;
	s10 =	simm.s32 @!p1 $0x8900  }
0x13d: {  	[tilespmem:s10], [sflag:$0x1] =	stream.indirect.gather @!p1 [hbm4b:s3+s31], $0x40, s25, s31, $0xb8;
	v63 =	vld [tilespmem:$0x0]  }
0x13e: {  	s24 =	sadd.s32 @!p1 $0x7A8, s1;
	s0 =	simm.s32 @!p1 $0x9580  }
0x13f: {  	[tilespmem:s0], [sflag:$0x1] =	stream.indirect.gather @!p1 [hbm4b:s3+s31], $0x40, s24, s31, $0xb8;
	v63 =	vld [tilespmem:$0x0]  }
0x140: {  	s12 =	sadd.s32 @!p1 $0x7E0, s1;
	s10 =	simm.s32 @!p1 $0xA200  }
0x141: {  	[tilespmem:s10], [sflag:$0x1] =	stream.indirect.gather @!p1 [hbm4b:s3+s31], $0x40, s12, s31, $0xb8;
	v63 =	vld [tilespmem:$0x0]  }
0x142: {  	s11 =	sadd.s32 @!p1 $0x818, s1;
	s0 =	simm.s32 @!p1 $0xAE80  }
0x143: {  	[tilespmem:s0], [sflag:$0x1] =	stream.indirect.gather @!p1 [hbm4b:s3+s31], $0x40, s11, s31, $0xb8;
	v63 =	vld [tilespmem:$0x0]  }
0x144: {  	s13 =	sadd.s32 @!p1 $0x850, s1;
	s10 =	simm.s32 @!p1 $0xBB00  }
0x145: {  	[tilespmem:s10], [sflag:$0x1] =	stream.indirect.gather @!p1 [hbm4b:s3+s31], $0x40, s13, s31, $0xb8;
	v63 =	vld [tilespmem:$0x0]  }
0x146: {  	s25 =	sadd.s32 @!p1 $0x888, s1;
	s0 =	simm.s32 @!p1 $0xC780  }
0x147: {  	[tilespmem:s0], [sflag:$0x1] =	stream.indirect.gather @!p1 [hbm4b:s3+s31], $0x40, s25, s31, $0xb8;
	v63 =	vld [tilespmem:$0x0]  }
0x148: {  	s14 =	sadd.s32 @!p1 $0x8C0, s1;
	s10 =	simm.s32 @!p1 $0xD400  }
0x149: {  	[tilespmem:s10], [sflag:$0x1] =	stream.indirect.gather @!p1 [hbm4b:s3+s31], $0x40, s14, s31, $0xb8;
	v63 =	vld [tilespmem:$0x0]  }
0x14a: {  	s15 =	sadd.s32 @!p1 $0x8F8, s1;
	s0 =	simm.s32 @!p1 $0xE080  }
0x14b: {  	[tilespmem:s0], [sflag:$0x1] =	stream.indirect.gather @!p1 [hbm4b:s3+s31], $0x40, s15, s31, $0xb8;
	v63 =	vld [tilespmem:$0x0]  }
0x14c: {  	s16 =	sadd.s32 @!p1 $0x930, s1;
	s10 =	simm.s32 @!p1 $0xED00  }
0x14d: {  	[tilespmem:s10], [sflag:$0x1] =	stream.indirect.gather @!p1 [hbm4b:s3+s31], $0x40, s16, s31, $0xb8;
	v63 =	vld [tilespmem:$0x0]  }
0x14e: {  	s12 =	sadd.s32 @!p1 $0x968, s1;
	s0 =	simm.s32 @!p1 $0xF980  }
0x14f: {  	[tilespmem:s0], [sflag:$0x1] =	stream.indirect.gather @!p1 [hbm4b:s3+s31], $0x40, s12, s31, $0xb8;
	v63 =	vld [tilespmem:$0x0]  }
0x150: {  	s4 =	sadd.s32 @!p1 $0x9A0, s1;
	s10 =	simm.s32 @!p1 $0x10600  }
0x151: {  	[tilespmem:s10], [sflag:$0x1] =	stream.indirect.gather @!p1 [hbm4b:s3+s31], $0x40, s4, s31, $0xb8;
	v63 =	vld [tilespmem:$0x0]  }
0x152: {  	s11 =	sadd.s32 @!p1 $0x9D8, s1;
	s0 =	simm.s32 @!p1 $0x11280  }
0x153: {  	[tilespmem:s0], [sflag:$0x1] =	stream.indirect.gather @!p1 [hbm4b:s3+s31], $0x40, s11, s31, $0xb8;
	v63 =	vld [tilespmem:$0x0]  }
0x154: {  	s5 =	sadd.s32 @!p1 $0xA10, s1;
	s4 =	simm.s32 @!p1 $0x11F00  }
0x155: {  	[tilespmem:s4], [sflag:$0x1] =	stream.indirect.gather @!p1 [hbm4b:s3+s31], $0x40, s5, s31, $0xb8;
	v63 =	vld [tilespmem:$0x0]  }
0x156: {  	s1 =	sadd.s32 @!p1 $0xA48, s1;
	s0 =	simm.s32 @!p1 $0x12B80  }
0x157: {  	[tilespmem:s0], [sflag:$0x1] =	stream.indirect.gather @!p1 [hbm4b:s3+s31], $0x40, s1, s31, $0xb8;
	v63 =	vld [tilespmem:$0x0]  }
0x158: {  	_ =	swait.ge [sflag:s19], $0xC80  }
0x159: {  	[sflag:s19] =	ssyncset.done $0x0  }
0x15a: {  	[sflag:s19] =	ssyncadd.s32 $0xFFFFF380  }
0x15b: {  	_ =	swait.ge [sflag:s19], $0xC80  }
0x15c: {  	[sflag:s19] =	ssyncset.done $0x0  }
0x15d: {  	[sflag:s19] =	ssyncadd.s32 $0xFFFFF380  }
0x15e: {  	_ =	swait.ge [sflag:s19], $0xC80  }
0x15f: {  	[sflag:s19] =	ssyncset.done $0x0  }
0x160: {  	[sflag:s19] =	ssyncadd.s32 $0xFFFFF380  }
0x161: {  	_ =	swait.ge [sflag:s19], $0xC80  }
0x162: {  	[sflag:s19] =	ssyncset.done $0x0  }
0x163: {  	[sflag:s19] =	ssyncadd.s32 $0xFFFFF380  }
0x164: {  	_ =	swait.ge [sflag:s19], $0xC80  }
0x165: {  	[sflag:s19] =	ssyncset.done $0x0  }
0x166: {  	[sflag:s19] =	ssyncadd.s32 $0xFFFFF380  }
0x167: {  	_ =	swait.ge [sflag:s19], $0xC80  }
0x168: {  	[sflag:s19] =	ssyncset.done $0x0  }
0x169: {  	[sflag:s19] =	ssyncadd.s32 $0xFFFFF380  }
0x16a: {  	_ =	swait.ge [sflag:s19], $0xC80  }
0x16b: {  	[sflag:s19] =	ssyncset.done $0x0  }
0x16c: {  	[sflag:s19] =	ssyncadd.s32 $0xFFFFF380  }
0x16d: {  	_ =	swait.ge [sflag:s19], $0xC80  }
0x16e: {  	[sflag:s19] =	ssyncset.done $0x0  }
0x16f: {  	[sflag:s19] =	ssyncadd.s32 $0xFFFFF380  }
0x170: {  	_ =	swait.ge [sflag:s19], $0xC80  }
0x171: {  	[sflag:s19] =	ssyncset.done $0x0  }
0x172: {  	[sflag:s19] =	ssyncadd.s32 $0xFFFFF380  }
0x173: {  	_ =	swait.ge [sflag:s19], $0xC80  }
0x174: {  	[sflag:s19] =	ssyncset.done $0x0  }
0x175: {  	[sflag:s19] =	ssyncadd.s32 $0xFFFFF380  }
0x176: {  	_ =	swait.ge [sflag:s19], $0xC80  }
0x177: {  	[sflag:s19] =	ssyncset.done $0x0  }
0x178: {  	[sflag:s19] =	ssyncadd.s32 $0xFFFFF380  }
0x179: {  	_ =	swait.ge [sflag:s19], $0xC80  }
0x17a: {  	[sflag:s19] =	ssyncset.done $0x0  }
0x17b: {  	[sflag:s19] =	ssyncadd.s32 $0xFFFFF380  }
0x17c: {  	_ =	swait.ge [sflag:s19], $0xC80  }
0x17d: {  	[sflag:s19] =	ssyncset.done $0x0  }
0x17e: {  	[sflag:s19] =	ssyncadd.s32 $0xFFFFF380  }
0x17f: {  	s30 =	smov.u32 s28;
	s28 =	sadd.s32 $0x1C00, s28;
	_ =	swait.ge [sflag:s19], $0xC80  }
0x180: {  	p0 =	sne.s32 s28, $0x1C000;
	[sflag:s19] =	ssyncset.done $0x0  }
.Ltmp0:
0x181: {  	[sflag:s19] =	ssyncadd.s32 $0xFFFFF380;
	(pc) =	sbr.rel @p0 .LBB2_2-.Ltmp0, $4  }
0x182: {  	_ =	swait.ge [sflag:s19], $0xC80  }
0x183: {  	[sflag:s19] =	ssyncset.done $0x0  }
0x184: {  	s24 =	smov.u32 s30;
	s25 =	smov.u32 s29;
	[sflag:s19] =	ssyncadd.s32 $0xFFFFF380  }
0x185: {  	s29 =	sadd.s32 $0x3200, s29;
	p1 =	seq.s32 s24, $0x0;
	_ =	swait.ge [sflag:s19], $0xC80  }
0x186: {  	[sflag:s19] =	ssyncset.done $0x0  }
0x187: {  	s0 =	simm.s32 @!p1 $0x4;
	[sflag:s19] =	ssyncadd.s32 $0xFFFFF380  }
0x188: {  	[hbm4b:s26+s2] =	stream.linear.scatter [tilespmem:s17], [sflag:$0x4], $0xC800, $0x38;
	v63 =	vld [tilespmem:$0x0]  }
0x189: {  	_ =	swait.ge @!p1 [sflag:s0], $0xC800  }
0x18a: {  	s1 =	sshra.s32 s24, $0x2;
	[sflag:s0] =	ssyncset.done @!p1 $0x0  }
0x18b: {  	s4 =	sadd.s32 $0x380, s1;
	[sflag:s0] =	ssyncadd.s32 @!p1 $0xFFFF3800  }
0x18c: {  	[tilespmem:s17], [sflag:$0x2] =	stream.indirect.gather [hbm4b:s3+s8], $0x40, s4, s8, $0xb8;
	v63 =	vld [tilespmem:$0x0]  }
0x18d: {  	s16 =	sadd.s32 $0x3B8, s1;
	s5 =	rddreg [dreg:$0x3]  }
0x18e: {  	[tilespmem:s5], [sflag:$0x2] =	stream.indirect.gather [hbm4b:s3+s8], $0x40, s16, s8, $0xb8;
	v63 =	vld [tilespmem:$0x0]  }
0x18f: {  	s28 =	sadd.s32 $0x3F0, s1;
	s26 =	rddreg [dreg:$0x4]  }
0x190: {  	[tilespmem:s26], [sflag:$0x2] =	stream.indirect.gather [hbm4b:s3+s8], $0x40, s28, s8, $0xb8;
	v63 =	vld [tilespmem:$0x0]  }
0x191: {  	s30 =	sadd.s32 $0x428, s1;
	s29 =	rddreg [dreg:$0x5]  }
0x192: {  	[tilespmem:s29], [sflag:$0x2] =	stream.indirect.gather [hbm4b:s3+s8], $0x40, s30, s8, $0xb8;
	v63 =	vld [tilespmem:$0x0]  }
0x193: {  	s10 =	sadd.s32 $0x460, s1;
	s31 =	rddreg [dreg:$0x6]  }
0x194: {  	[tilespmem:s31], [sflag:$0x2] =	stream.indirect.gather [hbm4b:s3+s8], $0x40, s10, s8, $0xb8;
	v63 =	vld [tilespmem:$0x0]  }
0x195: {  	s12 =	sadd.s32 $0x498, s1;
	s11 =	rddreg [dreg:$0x7]  }
0x196: {  	[tilespmem:s11], [sflag:$0x2] =	stream.indirect.gather [hbm4b:s3+s8], $0x40, s12, s8, $0xb8;
	v63 =	vld [tilespmem:$0x0]  }
0x197: {  	s14 =	sadd.s32 $0x4D0, s1;
	s13 =	rddreg [dreg:$0x8]  }
0x198: {  	[tilespmem:s13], [sflag:$0x2] =	stream.indirect.gather [hbm4b:s3+s8], $0x40, s14, s8, $0xb8;
	v63 =	vld [tilespmem:$0x0]  }
0x199: {  	s15 =	rddreg [dreg:$0x9];
	s16 =	sadd.s32 $0x508, s1  }
0x19a: {  	[tilespmem:s15], [sflag:$0x2] =	stream.indirect.gather [hbm4b:s3+s8], $0x40, s16, s8, $0xb8;
	v63 =	vld [tilespmem:$0x0]  }
0x19b: {  	s26 =	rddreg [dreg:$0xa];
	s28 =	sadd.s32 $0x540, s1  }
0x19c: {  	[tilespmem:s26], [sflag:$0x2] =	stream.indirect.gather [hbm4b:s3+s8], $0x40, s28, s8, $0xb8;
	v63 =	vld [tilespmem:$0x0]  }
0x19d: {  	s29 =	rddreg [dreg:$0xb];
	s30 =	sadd.s32 $0x578, s1  }
0x19e: {  	[tilespmem:s29], [sflag:$0x2] =	stream.indirect.gather [hbm4b:s3+s8], $0x40, s30, s8, $0xb8;
	v63 =	vld [tilespmem:$0x0]  }
0x19f: {  	s31 =	rddreg [dreg:$0xc];
	s10 =	sadd.s32 $0x5B0, s1  }
0x1a0: {  	[tilespmem:s31], [sflag:$0x2] =	stream.indirect.gather [hbm4b:s3+s8], $0x40, s10, s8, $0xb8;
	v63 =	vld [tilespmem:$0x0]  }
0x1a1: {  	s11 =	rddreg [dreg:$0xd];
	s12 =	sadd.s32 $0x5E8, s1  }
0x1a2: {  	[tilespmem:s11], [sflag:$0x2] =	stream.indirect.gather [hbm4b:s3+s8], $0x40, s12, s8, $0xb8;
	v63 =	vld [tilespmem:$0x0]  }
0x1a3: {  	s13 =	rddreg [dreg:$0xe];
	s14 =	sadd.s32 $0x620, s1  }
0x1a4: {  	[tilespmem:s13], [sflag:$0x2] =	stream.indirect.gather [hbm4b:s3+s8], $0x40, s14, s8, $0xb8;
	v63 =	vld [tilespmem:$0x0]  }
0x1a5: {  	s15 =	rddreg [dreg:$0xf];
	s16 =	sadd.s32 $0x658, s1  }
0x1a6: {  	[tilespmem:s15], [sflag:$0x2] =	stream.indirect.gather [hbm4b:s3+s8], $0x40, s16, s8, $0xb8;
	v63 =	vld [tilespmem:$0x0]  }
0x1a7: {  	s26 =	rddreg [dreg:$0x10];
	s28 =	sadd.s32 $0x690, s1  }
0x1a8: {  	[tilespmem:s26], [sflag:$0x2] =	stream.indirect.gather [hbm4b:s3+s8], $0x40, s28, s8, $0xb8;
	v63 =	vld [tilespmem:$0x0]  }
0x1a9: {  	s29 =	rddreg [dreg:$0x11];
	s30 =	sadd.s32 $0x6C8, s1  }
0x1aa: {  	[tilespmem:s29], [sflag:$0x2] =	stream.indirect.gather [hbm4b:s3+s8], $0x40, s30, s8, $0xb8;
	v63 =	vld [tilespmem:$0x0]  }
0x1ab: {  	_ =	swait.ge [sflag:s18], $0xC80  }
0x1ac: {  	[sflag:s18] =	ssyncset.done $0x0  }
0x1ad: {  	[sflag:s18] =	ssyncadd.s32 $0xFFFFF380  }
0x1ae: {  	_ =	swait.ge [sflag:s18], $0xC80  }
0x1af: {  	[sflag:s18] =	ssyncset.done $0x0  }
0x1b0: {  	[sflag:s18] =	ssyncadd.s32 $0xFFFFF380  }
0x1b1: {  	_ =	swait.ge [sflag:s18], $0xC80  }
0x1b2: {  	[sflag:s18] =	ssyncset.done $0x0  }
0x1b3: {  	[sflag:s18] =	ssyncadd.s32 $0xFFFFF380  }
0x1b4: {  	_ =	swait.ge [sflag:s18], $0xC80  }
0x1b5: {  	[sflag:s18] =	ssyncset.done $0x0  }
0x1b6: {  	[sflag:s18] =	ssyncadd.s32 $0xFFFFF380  }
0x1b7: {  	_ =	swait.ge [sflag:s18], $0xC80  }
0x1b8: {  	[sflag:s18] =	ssyncset.done $0x0  }
0x1b9: {  	[sflag:s18] =	ssyncadd.s32 $0xFFFFF380  }
0x1ba: {  	_ =	swait.ge [sflag:s18], $0xC80  }
0x1bb: {  	[sflag:s18] =	ssyncset.done $0x0  }
0x1bc: {  	[sflag:s18] =	ssyncadd.s32 $0xFFFFF380  }
0x1bd: {  	_ =	swait.ge [sflag:s18], $0xC80  }
0x1be: {  	[sflag:s18] =	ssyncset.done $0x0  }
0x1bf: {  	[sflag:s18] =	ssyncadd.s32 $0xFFFFF380  }
0x1c0: {  	_ =	swait.ge [sflag:s18], $0xC80  }
0x1c1: {  	[sflag:s18] =	ssyncset.done $0x0  }
0x1c2: {  	[sflag:s18] =	ssyncadd.s32 $0xFFFFF380  }
0x1c3: {  	_ =	swait.ge [sflag:s18], $0xC80  }
0x1c4: {  	[sflag:s18] =	ssyncset.done $0x0  }
0x1c5: {  	[sflag:s18] =	ssyncadd.s32 $0xFFFFF380  }
0x1c6: {  	_ =	swait.ge [sflag:s18], $0xC80  }
0x1c7: {  	[sflag:s18] =	ssyncset.done $0x0  }
0x1c8: {  	[sflag:s18] =	ssyncadd.s32 $0xFFFFF380  }
0x1c9: {  	_ =	swait.ge [sflag:s18], $0xC80  }
0x1ca: {  	[sflag:s18] =	ssyncset.done $0x0  }
0x1cb: {  	[sflag:s18] =	ssyncadd.s32 $0xFFFFF380  }
0x1cc: {  	_ =	swait.ge [sflag:s18], $0xC80  }
0x1cd: {  	[sflag:s18] =	ssyncset.done $0x0  }
0x1ce: {  	[sflag:s18] =	ssyncadd.s32 $0xFFFFF380  }
0x1cf: {  	_ =	swait.ge [sflag:s18], $0xC80  }
0x1d0: {  	[sflag:s18] =	ssyncset.done $0x0  }
0x1d1: {  	[sflag:s18] =	ssyncadd.s32 $0xFFFFF380  }
0x1d2: {  	_ =	swait.ge [sflag:s18], $0xC80  }
0x1d3: {  	[sflag:s18] =	ssyncset.done $0x0  }
0x1d4: {  	[sflag:s18] =	ssyncadd.s32 $0xFFFFF380  }
0x1d5: {  	_ =	swait.ge [sflag:s18], $0xC80  }
0x1d6: {  	[sflag:s18] =	ssyncset.done $0x0  }
0x1d7: {  	[sflag:s18] =	ssyncadd.s32 $0xFFFFF380  }
0x1d8: {  	_ =	swait.ge [sflag:s18], $0xC80  }
0x1d9: {  	p0 =	seq.s32 s24, $0x1A400;
	[sflag:s18] =	ssyncset.done $0x0  }
0x1da: {  	s0 =	simm.s32 @!p0 $0x3;
	[sflag:s18] =	ssyncadd.s32 $0xFFFFF380  }
0x1db: {  	[hbm4b:s25+s2] =	stream.linear.scatter [tilespmem:s9], [sflag:$0x3], $0xC800, $0x38;
	v63 =	vld [tilespmem:$0x0]  }
0x1dc: {  	_ =	swait.ge @!p0 [sflag:s0], $0xC800  }
0x1dd: {  	s5 =	simm.s32 @!p0 $0x32;
	s1 =	sshra.s32 @!p0 s24, $0x2;
	[sflag:s0] =	ssyncset.done @!p0 $0x0  }
0x1de: {  	s4 =	sadd.s32 @!p0 $0x700, s1;
	s10 =	simm.s32 @!p0 $0x7000;
	[sflag:s0] =	ssyncadd.s32 @!p0 $0xFFFF3800  }
0x1df: {  	[tilespmem:s10], [sflag:$0x1] =	stream.indirect.gather @!p0 [hbm4b:s3+s5], $0x40, s4, s5, $0xb8;
	v63 =	vld [tilespmem:$0x0]  }
0x1e0: {  	s0 =	sadd.s32 @!p0 $0x738, s1;
	s4 =	simm.s32 @!p0 $0x7C80  }
0x1e1: {  	[tilespmem:s4], [sflag:$0x1] =	stream.indirect.gather @!p0 [hbm4b:s3+s5], $0x40, s0, s5, $0xb8;
	v63 =	vld [tilespmem:$0x0]  }
0x1e2: {  	s0 =	sadd.s32 @!p0 $0x770, s1;
	s4 =	simm.s32 @!p0 $0x8900  }
0x1e3: {  	[tilespmem:s4], [sflag:$0x1] =	stream.indirect.gather @!p0 [hbm4b:s3+s5], $0x40, s0, s5, $0xb8;
	v63 =	vld [tilespmem:$0x0]  }
0x1e4: {  	s0 =	sadd.s32 @!p0 $0x7A8, s1;
	s4 =	simm.s32 @!p0 $0x9580  }
0x1e5: {  	[tilespmem:s4], [sflag:$0x1] =	stream.indirect.gather @!p0 [hbm4b:s3+s5], $0x40, s0, s5, $0xb8;
	v63 =	vld [tilespmem:$0x0]  }
0x1e6: {  	s0 =	sadd.s32 @!p0 $0x7E0, s1;
	s4 =	simm.s32 @!p0 $0xA200  }
0x1e7: {  	[tilespmem:s4], [sflag:$0x1] =	stream.indirect.gather @!p0 [hbm4b:s3+s5], $0x40, s0, s5, $0xb8;
	v63 =	vld [tilespmem:$0x0]  }
0x1e8: {  	s0 =	sadd.s32 @!p0 $0x818, s1;
	s4 =	simm.s32 @!p0 $0xAE80  }
0x1e9: {  	[tilespmem:s4], [sflag:$0x1] =	stream.indirect.gather @!p0 [hbm4b:s3+s5], $0x40, s0, s5, $0xb8;
	v63 =	vld [tilespmem:$0x0]  }
0x1ea: {  	s0 =	sadd.s32 @!p0 $0x850, s1;
	s4 =	simm.s32 @!p0 $0xBB00  }
0x1eb: {  	[tilespmem:s4], [sflag:$0x1] =	stream.indirect.gather @!p0 [hbm4b:s3+s5], $0x40, s0, s5, $0xb8;
	v63 =	vld [tilespmem:$0x0]  }
0x1ec: {  	s0 =	sadd.s32 @!p0 $0x888, s1;
	s4 =	simm.s32 @!p0 $0xC780  }
0x1ed: {  	[tilespmem:s4], [sflag:$0x1] =	stream.indirect.gather @!p0 [hbm4b:s3+s5], $0x40, s0, s5, $0xb8;
	v63 =	vld [tilespmem:$0x0]  }
0x1ee: {  	s0 =	sadd.s32 @!p0 $0x8C0, s1;
	s4 =	simm.s32 @!p0 $0xD400  }
0x1ef: {  	[tilespmem:s4], [sflag:$0x1] =	stream.indirect.gather @!p0 [hbm4b:s3+s5], $0x40, s0, s5, $0xb8;
	v63 =	vld [tilespmem:$0x0]  }
0x1f0: {  	s0 =	sadd.s32 @!p0 $0x8F8, s1;
	s4 =	simm.s32 @!p0 $0xE080  }
0x1f1: {  	[tilespmem:s4], [sflag:$0x1] =	stream.indirect.gather @!p0 [hbm4b:s3+s5], $0x40, s0, s5, $0xb8;
	v63 =	vld [tilespmem:$0x0]  }
0x1f2: {  	s0 =	sadd.s32 @!p0 $0x930, s1;
	s4 =	simm.s32 @!p0 $0xED00  }
0x1f3: {  	[tilespmem:s4], [sflag:$0x1] =	stream.indirect.gather @!p0 [hbm4b:s3+s5], $0x40, s0, s5, $0xb8;
	v63 =	vld [tilespmem:$0x0]  }
0x1f4: {  	s0 =	sadd.s32 @!p0 $0x968, s1;
	s4 =	simm.s32 @!p0 $0xF980  }
0x1f5: {  	[tilespmem:s4], [sflag:$0x1] =	stream.indirect.gather @!p0 [hbm4b:s3+s5], $0x40, s0, s5, $0xb8;
	v63 =	vld [tilespmem:$0x0]  }
0x1f6: {  	s0 =	sadd.s32 @!p0 $0x9A0, s1;
	s4 =	simm.s32 @!p0 $0x10600  }
0x1f7: {  	[tilespmem:s4], [sflag:$0x1] =	stream.indirect.gather @!p0 [hbm4b:s3+s5], $0x40, s0, s5, $0xb8;
	v63 =	vld [tilespmem:$0x0]  }
0x1f8: {  	s0 =	sadd.s32 @!p0 $0x9D8, s1;
	s4 =	simm.s32 @!p0 $0x11280  }
0x1f9: {  	[tilespmem:s4], [sflag:$0x1] =	stream.indirect.gather @!p0 [hbm4b:s3+s5], $0x40, s0, s5, $0xb8;
	v63 =	vld [tilespmem:$0x0]  }
0x1fa: {  	s0 =	sadd.s32 @!p0 $0xA10, s1;
	s4 =	simm.s32 @!p0 $0x11F00  }
0x1fb: {  	[tilespmem:s4], [sflag:$0x1] =	stream.indirect.gather @!p0 [hbm4b:s3+s5], $0x40, s0, s5, $0xb8;
	v63 =	vld [tilespmem:$0x0]  }
0x1fc: {  	s0 =	sadd.s32 @!p0 $0xA48, s1;
	s1 =	simm.s32 @!p0 $0x12B80  }
0x1fd: {  	[tilespmem:s1], [sflag:$0x1] =	stream.indirect.gather @!p0 [hbm4b:s3+s5], $0x40, s0, s5, $0xb8;
	v63 =	vld [tilespmem:$0x0]  }
0x1fe: {  	_ =	swait.ge [sflag:s19], $0xC80  }
0x1ff: {  	[sflag:s19] =	ssyncset.done $0x0  }
0x200: {  	[sflag:s19] =	ssyncadd.s32 $0xFFFFF380  }
0x201: {  	_ =	swait.ge [sflag:s19], $0xC80  }
0x202: {  	[sflag:s19] =	ssyncset.done $0x0  }
0x203: {  	[sflag:s19] =	ssyncadd.s32 $0xFFFFF380  }
0x204: {  	_ =	swait.ge [sflag:s19], $0xC80  }
0x205: {  	[sflag:s19] =	ssyncset.done $0x0  }
0x206: {  	[sflag:s19] =	ssyncadd.s32 $0xFFFFF380  }
0x207: {  	_ =	swait.ge [sflag:s19], $0xC80  }
0x208: {  	[sflag:s19] =	ssyncset.done $0x0  }
0x209: {  	[sflag:s19] =	ssyncadd.s32 $0xFFFFF380  }
0x20a: {  	_ =	swait.ge [sflag:s19], $0xC80  }
0x20b: {  	[sflag:s19] =	ssyncset.done $0x0  }
0x20c: {  	[sflag:s19] =	ssyncadd.s32 $0xFFFFF380  }
0x20d: {  	_ =	swait.ge [sflag:s19], $0xC80  }
0x20e: {  	[sflag:s19] =	ssyncset.done $0x0  }
0x20f: {  	[sflag:s19] =	ssyncadd.s32 $0xFFFFF380  }
0x210: {  	_ =	swait.ge [sflag:s19], $0xC80  }
0x211: {  	[sflag:s19] =	ssyncset.done $0x0  }
0x212: {  	[sflag:s19] =	ssyncadd.s32 $0xFFFFF380  }
0x213: {  	_ =	swait.ge [sflag:s19], $0xC80  }
0x214: {  	[sflag:s19] =	ssyncset.done $0x0  }
0x215: {  	[sflag:s19] =	ssyncadd.s32 $0xFFFFF380  }
0x216: {  	_ =	swait.ge [sflag:s19], $0xC80  }
0x217: {  	[sflag:s19] =	ssyncset.done $0x0  }
0x218: {  	[sflag:s19] =	ssyncadd.s32 $0xFFFFF380  }
0x219: {  	_ =	swait.ge [sflag:s19], $0xC80  }
0x21a: {  	[sflag:s19] =	ssyncset.done $0x0  }
0x21b: {  	[sflag:s19] =	ssyncadd.s32 $0xFFFFF380  }
0x21c: {  	_ =	swait.ge [sflag:s19], $0xC80  }
0x21d: {  	[sflag:s19] =	ssyncset.done $0x0  }
0x21e: {  	[sflag:s19] =	ssyncadd.s32 $0xFFFFF380  }
0x21f: {  	_ =	swait.ge [sflag:s19], $0xC80  }
0x220: {  	[sflag:s19] =	ssyncset.done $0x0  }
0x221: {  	[sflag:s19] =	ssyncadd.s32 $0xFFFFF380  }
0x222: {  	_ =	swait.ge [sflag:s19], $0xC80  }
0x223: {  	[sflag:s19] =	ssyncset.done $0x0  }
0x224: {  	[sflag:s19] =	ssyncadd.s32 $0xFFFFF380  }
0x225: {  	_ =	swait.ge [sflag:s19], $0xC80  }
0x226: {  	[sflag:s19] =	ssyncset.done $0x0  }
0x227: {  	[sflag:s19] =	ssyncadd.s32 $0xFFFFF380  }
0x228: {  	_ =	swait.ge [sflag:s19], $0xC80  }
0x229: {  	[sflag:s19] =	ssyncset.done $0x0  }
0x22a: {  	[sflag:s19] =	ssyncadd.s32 $0xFFFFF380  }
0x22b: {  	_ =	swait.ge [sflag:s19], $0xC80  }
0x22c: {  	[sflag:s19] =	ssyncset.done $0x0  }
0x22d: {  	[sflag:s19] =	ssyncadd.s32 $0xFFFFF380  }
0x22e: {  	[hbm4b:s23+s2] =	stream.linear.scatter [tilespmem:s17], [sflag:$0x4], $0xC800, $0x38;
	v63 =	vld [tilespmem:$0x0]  }
0x22f: {  	_ =	swait.ge [sflag:s20], $0xC800  }
0x230: {  	[sflag:s20] =	ssyncset.done $0x0  }
0x231: {  	[sflag:s20] =	ssyncadd.s32 $0xFFFF3800  }
0x232: {  	_ =	swait.ge [sflag:s21], $0xC800  }
0x233: {  	s22 =	sadd.s32 $0x1, s22;
	s31 =	rddreg [dreg:$0x13]  }
0x234: {  	p0 =	sne.s32 s22, s31  }
.Ltmp1:
0x235: {  	_ = 	snop;
	(pc) =	sbr.rel @p0 .LBB2_1-.Ltmp1, $3  }
0x236: {  	_ =	sdelay $0x1  }
0x237: {  	[sflag:s21] =	ssyncset.done $0x0  }
0x238: {  	[sflag:s21] =	ssyncadd.s32 $0xFFFF3800  }
0x239: {  	_ =	sfence.sel $0x180000  }
0x23a: {  	[bflag:$0x0] =	sbarrier.arrive $0xFFFF  }
0x23b: {  	_ =	strace $0x90000047  }
0x23c: {  	s0 =	stileid.u32;
	[bflag:$0x2] =	sbarrier.arrive $0xFFFF  }
0x23d: {  	p0 =	sne.s32 s0, $0x0;
	s0 =	rddreg [dreg:$0x2]  }
0x23e: {  	s0 =	sadd.s32 @!p0 $0x100000, s0  }
0x23f: {  	[sflag:s0] =	ssyncadd.tile.s32 @!p0 $0x1;
	_ =	shalt  }
.Lfunc_end2:
_tile_overlayer_lowered:
.L_overlay_start_2:
0x240: {  	(tag) =	ssettag $0x2  }
0x241: {  	s0 =	rddreg [dreg:$0x0];
	s2 =	stileid.u32  }
0x242: {  	s1 =	rddreg [dreg:$0x1];
	p0 =	sne.s32 s2, $0x0  }
0x243: {  	s3 =	rddreg [dreg:$0x2];
	[bflag:$0x3] =	sbarrier.arrive $0xFFFF;
	s2 =	simm.s32 @!p0 $0x1C05  }
0x244: {  	[timem:s3], [sflag:s2] =	dma.local @!p0 [hbm:s0], s1  }
0x245: {  	s0 =	simm.s32 @!p0 $0x5  }
0x246: {  	_ =	swait.ge @!p0 [sflag:s0], s1  }
0x247: {  	s1 =	ssub.s32 @!p0 $0x0, s1;
	[sflag:s0] =	ssyncset.done @!p0 $0x0  }
0x248: {  	[sflag:s0] =	ssyncadd.s32 @!p0 s1  }
0x249: {  	[bflag:$0x3] =	sbarrier.arrive $0xFFFF  }
0x24a: {  	_ =	shalt  }

// kernel: sparse-core-data-format-call.cloned.1.call-start
scs
called_computation_lowered:
.L_overlay_start_0:
0x0: {  	s2 =	sld [smem:$0x3FD9]  }
0x1: {  	s3 =	sld [smem:$0x3FFE];
	_ =	sdelay $0x1  }
0x2: {  	s1 =	srdreg.scid  }
0x3: {  	s0 =	sand.u32 $0x1, s1  }
0x4: {  	s18 =	sshll.u32 s0, $0xA;
	s2 =	sadd.s32 s3, s2  }
0x5: {  	s2 =	sadd.s32 s2, s18  }
0x6: {  	[smem:$0x3FC6] =	sst s2  }
0x7: {  	_ = 	snop  }
0x8: {  	s2 =	sld [smem:$0x3FD0];
	(tm) =	ssettm $0x1  }
0x9: {  	s19 =	sld [smem:$0x3FFB];
	_ =	sdelay $0x3  }
0xa: {  	_ =	strace s19  }
0xb: {  	s3 =	sld [smem:$0x3FFC];
	_ =	sdelay $0x3  }
0xc: {  	_ =	strace s3  }
0xd: {  	s3 =	sld [smem:$0x3FFD];
	_ =	sdelay $0x3  }
0xe: {  	_ =	strace s3  }
0xf: {  	_ =	strace $0x8FFFFFFF  }
0x10: {  	s20 =	sld [smem:$0x3FDB];
	_ =	sdelay $0x1  }
0x11: {  	s4 =	simm.s32 $_scs_section_size  }
0x12: {  	s5 =	simm.s32 $_size__tile_overlayer_lowered;
	s6 =	simm.s32 $_tile_overlayer_lowered  }
0x13: {  	s23 =	simm.s32 $0x1BFF;
	s22 =	sshll.u32 s6, $0x1;
	s3 =	sadd.s32 s4, s20  }
0x14: {  	s7 =	simm.s32 $0x0;
	s21 =	sshll.u32 s5, $0x1;
	s5 =	sadd.s32 s22, s3  }
0x15: {  	[timem:s7], [sflag:s23] =	dma.local [hbm:s5], s21  }
0x16: {  	_ =	swait.ge [sflag:s23], s21  }
0x17: {  	s4 =	ssub.s32 $0x0, s21;
	[sflag:s23] =	ssyncset.done $0x0  }
0x18: {  	[sflag:s23] =	ssyncadd.s32 s4;
	_ =	sdelay $0x1  }
0x19: {  	s24 =	simm.s32 $0x1B8B  }
0x1a: {  	_ =	swait.ge [sflag:s24], $0x1  }
0x1b: {  	[sflag:s24] =	ssyncset.done $0x0  }
0x1c: {  	s26 =	simm.s32 $0x1B8E;
	s25 =	sld [smem:$0x3FFE];
	[sflag:s24] =	ssyncadd.s32 $0xFFFFFFFF  }
0x1d: {  	s27 =	simm.s32 $execute0_lowered;
	[smem:$0x3FD2] =	sst s26  }
0x1e: {  	s5 =	sshll.u32 s27, $0x1;
	_ =	strace $0x80000049;
	[dreg:$0x1] =	wrdreg $0xFFFFFFFF  }
0x1f: {  	s28 =	simm.s32 $_size_execute0_lowered;
	s3 =	sadd.s32 s3, s5;
	[dreg:$0x0] =	wrdreg $0x0  }
0x20: {  	s5 =	sshll.u32 s28, $0x1;
	[dreg:$0x2] =	wrdreg s3  }
0x21: {  	[dreg:$0x3] =	wrdreg s5  }
0x22: {  	[dreg:$0x4] =	wrdreg $0xC0  }
0x23: {  	_ =	task [dreg:s7], $0x5FFFF  }
0x24: {  	[dreg:$0x1] =	wrdreg $0xFFFFFFFF  }
0x25: {  	[dreg:$0x0] =	wrdreg $0x60  }
0x26: {  	[dreg:$0x2] =	wrdreg s25  }
0x27: {  	[dreg:$0x3] =	wrdreg s2  }
0x28: {  	[dreg:$0x4] =	wrdreg $0x9  }
0x29: {  	_ =	task.clear_ibuf [dreg:s7], $0x5FFFF;
	_ =	strace $0x90000049  }
0x2a: {  	s29 =	simm.s32 $0x9;
	_ =	strace $0x8000004B  }
0x2b: {  	_ =	swait.ge [sflag:s29], $0x1  }
0x2c: {  	[sflag:s29] =	ssyncadd.s32 $0xFFFFFFFF  }
0x2d: {  	_ =	strace $0x9000004B  }
0x2e: {  	_ =	sfence  }
0x2f: {  	s30 =	sld [smem:$0x0];
	_ =	sdelay $0x2  }
0x30: {  	s31 =	sshll.u32 s1, $0xD;
	s1 =	sshrl.u32 s1, $0x2  }
0x31: {  	s3 =	sand.u32 $0x4000, s31;
	s1 =	sadd.s32 s1, s30  }
0x32: {  	s0 =	sor.u32 s3, s0;
	s1 =	sshll.u32 s1, $0x11  }
0x33: {  	s0 =	sor.u32 s1, s0  }
0x34: {  	s0 =	sadd.s32 $0x8F2B, s0  }
0x35: {  	[sflag:s0] =	ssyncadd.remote.s32 $0x1  }
0x36: {  	_ =	sfence.sel $0xFFFF  }
0x37: {  	[dreg:$0x0] =	wrdreg $0xFFFFFFFF;
	(pc) =	sbr.abs _section_cstart, $3  }
0x38: {  	[dreg:$0x1] =	wrdreg $0xFFFFFFFF  }
0x39: {  	_ =	task.clear_ibuf [dreg:s7], $0x2FFFF;
	_ =	strace $0x9FFFFFFF  }
0x3a: {  	(tm) =	ssettm $0x7FFFFFFF  }
0x3b: {  	_ =	shalt  }
tec
execute0_lowered:
.L_overlay_start_1:
0x0: {  	(tag) =	ssettag $0x1  }
0x1: {  	s0 =	srdreg.scid  }
0x2: {  	s1 =	sshll.u32 s0, $0x4  }
0x3: {  	s0 =	stileid.u32;
	s1 =	sand.u32 $0x10, s1  }
0x4: {  	s1 =	sor.u32 s0, s1  }
0x5: {  	s6 =	rddreg [dreg:$0x0];
	s4 =	simm.s32 $0x1;
	s2 =	sshll.u32 s1, $0x7  }
0x6: {  	s7 =	simm.s32 $0x2;
	s12 =	simm.s32 $0x0;
	s1 =	ssub.s32 $0x4000, s2  }
0x7: {  	s8 =	simm.s32 $0x20000;
	s13 =	simm.s32 $0x0;
	s3 =	sand.u32 $0xF80, s1  }
0x8: {  	s9 =	simm.s32 $0x0;
	s5 =	sshrl.u32 s1, $0xC;
	p0 =	sne.s32 s3, $0x0  }
.Ltmp0:
0x9: {  	s1 =	rddreg [dreg:$0x2];
	s4 =	simm.s32 @!p0 $0x0;
	(pc) =	sbr.rel .LBB1_1-.Ltmp0, $4  }
0xa: {  	s11 =	simm.s32 $0x0;
	s3 =	rddreg [dreg:$0x1];
	s5 =	sadd.s32 s4, s5  }
0xb: {  	_ =	strace $0x8000004A;
	s4 =	simm.s32 $0x1;
	s5 =	smul.u32 $0x32, s5  }
0xc: {  	s6 =	sadd.s32 $0xA00, s6;
	s10 =	smov.u32 s2;
	[sflag:s4] =	ssyncpa.u1 $0x0  }
0xd: {  	p0 =	por $0x0, $0x0;
	[sflag:s7] =	ssyncpa.u1 $0x0;
	s7 =	sor.u32 $0x1, s5  }
.LBB1_4:
0xe: {  	s16 =	sshll.u32 s13, $0x3;
	s17 =	sand.u32 $0x78, s13  }
0xf: {  	s30 =	sand.u32 $0x1F800, s13;
	s12 =	sshll.u32 s12, $0x11;
	s16 =	sand.u32 $0x3C00, s16  }
0x10: {  	[tilespmem:s15+$0x810 ss:$0x81] =	vst.msk $0xffff, v2;
	s31 =	sand.u32 $0x7, s13;
	s16 =	sor.u32 s17, s16;
	s17 =	sadd.s32 s3, s30  }
0x11: {  	[tilespmem:s15+$0x1020 ss:$0x81] =	vst.msk $0xffff, v0;
	s13 =	sshll.u32 s31, $0x12;
	s12 =	sadd.s32 s12, s17;
	s16 =	sshrl.u32 s16, $0x3  }
0x12: {  	[tilespmem:s15+$0x0 ss:$0x81] =	vst.msk $0xffff, v1;
	s13 =	sor.u32 $0x400, s13;
	s12 =	sadd.s32 s16, s12  }
0x13: {  	[hbm4b:s12+s13] =	stream.strided.scatter [tilespmem:s14], [sflag:$0x2], $0x2000, s8, s13, $0x20;
	[tilespmem:$0x8080] =	vst v63  }
.LBB1_5:
0x14: {  	s14 =	sadd.s32 $0x1, s9  }
0x15: {  	s12 =	sadd.s32 $0x1000, s10;
	s16 =	smov.u32 s10;
	p2 =	sgt.s32 s14, $0x31  }
0x16: {  	s16 =	smov.u32 @p2 s12  }
0x17: {  	s14 =	simm.s32 @p2 $0x0;
	p2 =	sgt.s32 s16, $0x3FFF  }
0x18: {  	s16 =	smov.u32 @p2 s2;
	p2 =	sne.s32 s11, s7  }
.Ltmp1:
0x19: {  	p1 =	slt.u32 s11, $0x2;
	(pc) =	sbr.rel @!p2 .LBB1_6-.Ltmp1, $4  }
0x1a: {  	s15 =	simm.s32 @!p1 $0x2  }
0x1b: {  	s13 =	smov.u32 s10;
	p0 =	por !p0, !p0;
	_ =	swait.ge @!p1 [sflag:s15], $0x2000  }
0x1c: {  	s12 =	smov.u32 s9;
	[sflag:s15] =	ssyncset.done @!p1 $0x0;
	s9 =	smov.u32 s14  }
0x1d: {  	s11 =	sadd.s32 $0x1, s11;
	[sflag:s15] =	ssyncadd.s32 @!p1 $0xFFFFE000;
	s10 =	smov.u32 s16  }
.LBB1_1:
0x1e: {  	p1 =	sge.u32 s11, s5  }
0x1f: {  	s14 =	sand.u32 @!p1 $0x1FFFFFF, s9  }
0x20: {  	s15 =	smulhi.u32 @!p1 $0x4924925, s14;
	_ =	sdelay $0x1  }
0x21: {  	s15 =	smul.u32 @!p1 $0x38, s15  }
0x22: {  	s16 =	sxor.u32 @!p1 $0xFFFFFFFF, s11;
	s17 =	smul.u32 @!p1 $0x380, s10  }
0x23: {  	s31 =	sadd.s32 $0xFFFFFFFF, s11;
	s16 =	sshll.u32 @!p1 s16, $0xD;
	s14 =	ssub.s32 @!p1 s14, s15  }
0x24: {  	s15 =	sand.u32 @!p1 $0x2000, s16;
	s16 =	sadd.s32 @!p1 s6, s17;
	s14 =	sshll.u32 @!p1 s14, $0x4  }
0x25: {  	s17 =	simm.s32 @!p1 $0x1C00;
	s14 =	sadd.s32 @!p1 s14, s16;
	s16 =	simm.s32 @!p1 $0x40  }
0x26: {  	[tilespmem:s15], [sflag:$0x1] =	stream.strided.gather @!p1 [hbm4b:s14+s16], $0x2000, s17, s16, $0x38;
	[tilespmem:$0x8080] =	vst v63  }
0x27: {  	p1 =	sge.u32 s31, s5  }
.Ltmp2:
0x28: {  	_ = 	snop;
	(pc) =	sbr.rel @p1 .LBB1_5-.Ltmp2, $1  }
0x29: {  	_ =	sdelay $0x3  }
0x2a: {  	s14 =	simm.s32 $0x1  }
0x2b: {  	_ =	swait.ge [sflag:s4], $0x2000;
	s14 =	simm.s32 @!p0 $0x0  }
0x2c: {  	[sflag:s4] =	ssyncset.done $0x0;
	s15 =	sshll.u32 s14, $0xD  }
0x2d: {  	[sflag:s4] =	ssyncadd.s32 $0xFFFFE000;
	s18 =	sor.u32 $0x20, s15  }
0x2e: {  	s14 =	smul.u32 $0x8100, s14;
	v3 =	vld [tilespmem:s18+$0x10]  }
0x2f: {  	s30 =	sand.u32 $0x1, s11;
	v2 =	vld [tilespmem:s18+$0xFFFFFFF0]  }
0x30: {  	s15 =	smul.u32 $0x8100, s30;
	s14 =	sshrl.u32 s14, $0x2;
	v0 =	vld [tilespmem:s18+$0x0]  }
0x31: {  	v1 =	vld [tilespmem:s18+$0xFFFFFFE0];
	s16 =	sor.u32 $0x4000, s14  }
0x32: {  	s31 =	sshrl.u32 s15, $0x2;
	s15 =	sadd.s32 $0x0, s16  }
0x33: {  	s17 =	simm.s32 $0x4;
	s18 =	sadd.s32 $0x40, s18;
	s14 =	sor.u32 $0x4000, s31;
	[tilespmem:s15+$0x1830 ss:$0x81] =	vst.msk $0xffff, v3  }
.LBB1_3:
0x34: {  	v3 =	vld [tilespmem:s18+$0x10];
	p1 =	sne.s32 s17, $0x1FC;
	[tilespmem:s15+$0x810 ss:$0x81] =	vst.msk $0xffff, v2;
	s19 =	smov.u32 s17;
	s17 =	sadd.s32 $0x4, s17  }
.Ltmp3:
0x35: {  	v2 =	vld [tilespmem:s18+$0xFFFFFFF0];
	[tilespmem:s15+$0x1020 ss:$0x81] =	vst.msk $0xffff, v0;
	(pc) =	sbr.rel @p1 .LBB1_3-.Ltmp3, $4  }
0x36: {  	v0 =	vld [tilespmem:s18+$0x0];
	[tilespmem:s15+$0x0 ss:$0x81] =	vst.msk $0xffff, v1  }
0x37: {  	s15 =	sshra.s32 s19, $0x2;
	v1 =	vld [tilespmem:s18+$0xFFFFFFE0]  }
0x38: {  	s15 =	sadd.s32 s15, s16  }
0x39: {  	s18 =	sadd.s32 $0x40, s18;
	[tilespmem:s15+$0x1830 ss:$0x81] =	vst.msk $0xffff, v3  }
.Ltmp4:
0x3a: {  	_ = 	snop;
	(pc) =	sbr.rel .LBB1_4-.Ltmp4, $1  }
0x3b: {  	_ =	sdelay $0x3  }
.LBB1_6:
0x3c: {  	_ =	sfence.sel $0x180000  }
0x3d: {  	s2 =	simm.s32 $0x1;
	[bflag:$0x0] =	sbarrier.arrive $0xFFFF  }
0x3e: {  	s31 =	simm.s32 $0x2;
	[sflag:s2] =	ssyncpa.u1 $0x1  }
0x3f: {  	[sflag:s31] =	ssyncpa.u1 $0x1  }
0x40: {  	p0 =	sne.s32 s0, $0x0;
	_ =	strace $0x9000004A  }
0x41: {  	s0 =	sadd.s32 @!p0 $0x100000, s1;
	[bflag:$0x2] =	sbarrier.arrive $0xFFFF  }
0x42: {  	[sflag:s0] =	ssyncadd.tile.s32 @!p0 $0x1;
	_ =	shalt  }
.Lfunc_end1:
_tile_overlayer_lowered:
.L_overlay_start_2:
0x43: {  	(tag) =	ssettag $0x2  }
0x44: {  	s0 =	rddreg [dreg:$0x0];
	s2 =	stileid.u32  }
0x45: {  	s1 =	rddreg [dreg:$0x1];
	p0 =	sne.s32 s2, $0x0  }
0x46: {  	s3 =	rddreg [dreg:$0x2];
	[bflag:$0x3] =	sbarrier.arrive $0xFFFF;
	s2 =	simm.s32 @!p0 $0x1C01  }
0x47: {  	[timem:s3], [sflag:s2] =	dma.local @!p0 [hbm:s0], s1  }
0x48: {  	s0 =	simm.s32 @!p0 $0x1  }
0x49: {  	_ =	swait.ge @!p0 [sflag:s0], s1  }
0x4a: {  	s1 =	ssub.s32 @!p0 $0x0, s1;
	[sflag:s0] =	ssyncset.done @!p0 $0x0  }
0x4b: {  	[sflag:s0] =	ssyncadd.s32 @!p0 s1  }
0x4c: {  	[bflag:$0x3] =	sbarrier.arrive $0xFFFF  }
0x4d: {  	_ =	shalt  }

</sc_bundles>
